<compile_context>
chip_gen: v7x
topology: tpu7x:2x2x1
jax: 0.10.2.dev20260603
libtpu: 0.0.44.dev20260713+nightly
codegen_flags: <defaults>
</compile_context>

<pallas_src>
import functools

import jax
import jax.numpy as jnp
from jax import lax
from jax.experimental import pallas as pl
from jax.experimental.pallas import tpu as pltpu
from jax.experimental.pallas import tpu_sc as plsc

_B, _T, _S, _V, _D, _H = 8, 32, 512, 100000, 512, 8
_VP = 100096
_NC, _NS = 2, 16
_NW = _NC * _NS
_RPW = (_B * _T) // _NW
_CHUNK = 128
_NCHUNK = _S // _CHUNK


_TB = 16


def _tc_body(dec_ref, x_ref, att_ref, w_ref, b_ref, enc_ref, out_ref, csum_ref):
    x = x_ref[0]
    dec = dec_ref[0]
    att = att_ref[0]
    w = w_ref[...]
    enc = enc_ref[0, 0]

    pg = jax.nn.sigmoid(
        jnp.dot(dec, w, preferred_element_type=jnp.float32) + b_ref[...]
    )

    mx = jnp.max(x, axis=-1, keepdims=True)
    p = jnp.exp(x - mx)
    se = jnp.sum(p, axis=-1, keepdims=True)
    out = jnp.log((pg / se) * p + 0.001)
    for t in range(_TB):
        out_ref[pl.ds(t * _VP, _V)] = out[t]

    am = jnp.mean(att, axis=0)
    amx = jnp.max(am, axis=-1, keepdims=True)
    ap = jnp.exp(am - amx)
    ad = ap / jnp.sum(ap, axis=-1, keepdims=True)
    upd = (1.0 - pg) * ad
    dm = (enc[:, None] == enc[None, :]).astype(jnp.float32)
    csum_ref[0] = jnp.dot(upd, dm, preferred_element_type=jnp.float32)


_tc_call = pl.pallas_call(
    _tc_body,
    grid=(_B, _T // _TB),
    in_specs=[
        pl.BlockSpec((1, _TB, _D), lambda i, j: (i, j, 0)),
        pl.BlockSpec((1, _TB, _V), lambda i, j: (i, j, 0)),
        pl.BlockSpec((1, _H, _TB, _S), lambda i, j: (i, 0, j, 0)),
        pl.BlockSpec((_D, 1), lambda i, j: (0, 0)),
        pl.BlockSpec((1, 1), lambda i, j: (0, 0)),
        pl.BlockSpec((1, 1, _S), lambda i, j: (i, 0, 0)),
    ],
    out_specs=[
        pl.BlockSpec((_TB * _VP,), lambda i, j: (i * (_T // _TB) + j,)),
        pl.BlockSpec((1, _TB, _S), lambda i, j: (i, j, 0)),
    ],
    out_shape=[
        jax.ShapeDtypeStruct((_B * _T * _VP,), jnp.float32),
        jax.ShapeDtypeStruct((_B, _T, _S), jnp.float32),
    ],
    compiler_params=pltpu.CompilerParams(
        dimension_semantics=("arbitrary", "arbitrary"),
        vmem_limit_bytes=120 * 1024 * 1024,
    ),
)


def _log_f32(x):
    bits = plsc.bitcast(x, jnp.int32)
    e = lax.shift_right_logical(bits, 23) - 127
    m = plsc.bitcast(
        jnp.bitwise_or(jnp.bitwise_and(bits, jnp.int32(0x007FFFFF)),
                       jnp.int32(0x3F800000)),
        jnp.float32,
    )
    big = m > 1.41421356
    m = jnp.where(big, m * 0.5, m)
    e = e + jnp.where(big, jnp.int32(1), jnp.int32(0))
    r = (m - 1.0) / (m + 1.0)
    r2 = r * r
    p = 2.0 * r * (1.0 + r2 * (0.33333333 + r2 * (0.2 + r2 * (0.14285715
                   + r2 * 0.11111111))))
    return p + e.astype(jnp.float32) * 0.69314718


def _sc_body(out_hbm, csum_hbm, enc_hbm, enc_s, idx_s, vals_s, csv_s, sem):
    c = lax.axis_index("c")
    s = lax.axis_index("s")
    w = s * _NC + c
    b = w // (_T // _RPW)
    pltpu.sync_copy(enc_hbm.at[b], enc_s)

    @pl.loop(0, _RPW)
    def _row(i):
        r = w * _RPW + i
        base = r * jnp.int32(_VP)
        for cc in range(_NCHUNK):
            @pl.loop(0, _CHUNK // 16)
            def _idx(j):
                ev = enc_s[pl.ds(cc * _CHUNK + j * 16, 16)]
                idx_s[cc, pl.ds(j * 16, 16)] = ev + base
        pltpu.sync_copy(csum_hbm.at[pl.ds(r * _S, _S)], csv_s)
        gets = [
            pltpu.async_copy(out_hbm.at[idx_s.at[cc]], vals_s.at[cc], sem)
            for cc in range(_NCHUNK)
        ]
        for g in gets:
            g.wait()
        for cc in range(_NCHUNK):
            @pl.loop(0, _CHUNK // 16)
            def _fix(j):
                v = vals_s[cc, pl.ds(j * 16, 16)]
                q = jnp.exp(v) + csv_s[pl.ds(cc * _CHUNK + j * 16, 16)]
                vals_s[cc, pl.ds(j * 16, 16)] = _log_f32(q)
        puts = [
            pltpu.async_copy(vals_s.at[cc], out_hbm.at[idx_s.at[cc]], sem)
            for cc in range(_NCHUNK)
        ]
        for p_ in puts:
            p_.wait()


@functools.lru_cache(maxsize=1)
def _get_sc_call():
    return pl.kernel(
        _sc_body,
        out_type=(),
        mesh=plsc.VectorSubcoreMesh(
            core_axis_name="c", subcore_axis_name="s",
            num_cores=_NC, num_subcores=_NS,
        ),
        scratch_types=[
            pltpu.VMEM((_S,), jnp.int32),
            pltpu.VMEM((_NCHUNK, _CHUNK), jnp.int32),
            pltpu.VMEM((_NCHUNK, _CHUNK), jnp.float32),
            pltpu.VMEM((_S,), jnp.float32),
            pltpu.SemaphoreType.DMA,
        ],
        compiler_params=pltpu.CompilerParams(needs_layout_passes=False),
    )


def kernel(dec_output, final_output, attention_weights, W, b, encoder_input,
           inp_shape, tar_shape, batch, training):
    enc = encoder_input.astype(jnp.int32)
    out_tc, csum = _tc_call(
        dec_output, final_output, attention_weights, W,
        jnp.reshape(b, (1, 1)).astype(jnp.float32),
        jnp.reshape(enc, (_B, 1, _S)),
    )
    buf = jax.new_ref(out_tc)
    _get_sc_call()(buf, jnp.reshape(csum, (_B * _T * _S,)), enc)
    fixed = jnp.reshape(buf[...], (_B * _T, _VP))[:, :_V]
    return jnp.reshape(fixed, (_B, _T, _V))

# --- scband reference (transcript-rebuilt; emitter-appended) ---
"""Pipeline reference for scband-generator-73023033966837 (READ-ONLY COPY).

The authoritative reference and input builder live on the scoring server;
editing this copy changes nothing except your own understanding.
"""

import jax, jax.numpy as jnp
import numpy as np

B, T, S, V, D, H = 8, 32, 512, 100000, 512, 8


def setup_inputs(seed: int = 0) -> dict:
    key = jax.random.key(seed)
    k1, k2, k3, k4, k5 = jax.random.split(key, 5)
    dec_output = jax.random.normal(k1, (B, T, D), dtype=jnp.float32)
    final_output = jax.random.normal(k2, (B, T, V), dtype=jnp.float32)
    attention_weights = jax.random.normal(k3, (B, H, T, S), dtype=jnp.float32)
    encoder_input = jax.random.randint(k4, (B, S), 0, V, dtype=jnp.int64)
    # Dense(1, activation='sigmoid') params on dec_output's last dim
    W = jax.random.normal(k5, (D, 1), dtype=jnp.float32) * 0.05
    b = jnp.zeros((1,), dtype=jnp.float32)
    return {
        "dec_output": dec_output,
        "final_output": final_output,
        "attention_weights": attention_weights,
        "W": W,
        "b": b,
        "encoder_input": encoder_input,
        "inp_shape": S,
        "tar_shape": T,
        "batch": B,
        "training": False,
    }


def reference(dec_output, final_output, attention_weights, W, b, encoder_input, inp_shape, tar_shape, batch, training):
    batch_s = encoder_input.shape[0]
    inp_shape_s = encoder_input.shape[1]
    tar_shape_s = final_output.shape[1]
    dep_zero = (jnp.asarray(inp_shape) * 0 + jnp.asarray(tar_shape) * 0
                + jnp.asarray(batch) * 0 + jnp.asarray(training) * 0).astype(final_output.dtype)
    # p_gen = Dense(1, sigmoid)(dec_output)  -> [B, T, 1]
    p_gen = jax.nn.sigmoid(jnp.dot(dec_output, W) + b)
    vocab_dist_ = jax.nn.softmax(final_output, axis=-1)
    vocab_dist = p_gen * vocab_dist_
    # mean over heads -> [B, T, S]
    attention_weights_ = jnp.mean(attention_weights, axis=1)
    attention_dist = jax.nn.softmax(attention_weights_, axis=-1)
    updates = (1.0 - p_gen) * attention_dist  # [B, T, S]
    # scatter_nd (duplicate indices accumulate) into [B, T, V]
    i1 = jnp.broadcast_to(jnp.arange(batch_s)[:, None, None], (batch_s, tar_shape_s, inp_shape_s))
    i2 = jnp.broadcast_to(jnp.arange(tar_shape_s)[None, :, None], (batch_s, tar_shape_s, inp_shape_s))
    ix = jnp.broadcast_to(encoder_input.astype(jnp.int32)[:, None, :], (batch_s, tar_shape_s, inp_shape_s))
    copy_probs = jnp.zeros(final_output.shape, dtype=final_output.dtype).at[i1, i2, ix].add(updates)
    combined_probs = vocab_dist + copy_probs
    combined_probs = combined_probs + 0.001
    combined_logits = jnp.log(combined_probs)
    return combined_logits + dep_zero

if __name__ == "__main__":
    import jax
    _d = setup_inputs()
    print(jax.jit(kernel)(*tuple(_d.values())))

</pallas_src>

<mosaic_0001>
#map = affine_map<(d0, d1) -> (0)>
#map1 = affine_map<(d0, d1) -> (0, 0)>
module attributes {stable_mosaic.version = 14 : i64} {
  func.func @new_body(%arg0: i32, %arg1: i32, %arg2: memref<25624576xf32, #tpu.memory_space<hbm>>, %arg3: memref<131072xf32, #tpu.memory_space<hbm>>, %arg4: memref<8x512xi32, #tpu.memory_space<hbm>>, %arg5: memref<25624576xf32, #tpu.memory_space<hbm>>, %arg6: memref<512xi32, #tpu.memory_space<vmem>>, %arg7: memref<4x128xi32, #tpu.memory_space<vmem>>, %arg8: memref<4x128xf32, #tpu.memory_space<vmem>>, %arg9: memref<512xf32, #tpu.memory_space<vmem>>, %arg10: memref<!tpu.dma_semaphore, #tpu.memory_space<semaphore_mem>>) attributes {dimension_semantics = [#tpu.dimension_semantics<core_parallel>, #tpu.dimension_semantics<subcore_parallel>], iteration_bounds = array<i64: 2, 16>, scalar_prefetch = 0 : i64, scratch_operands = 5 : i64, tpu.core_type = #tpu.core_type<sc_vector_subcore>, window_params = [{transform_indices = #map}, {transform_indices = #map}, {transform_indices = #map1}, {transform_indices = #map}]} {
    %mul3A = arith.constant 2 : i32
    %mul3A_0 = arith.muli %arg1, %mul3A : i32
    %add3A = arith.addi %mul3A_0, %arg0 : i32
    %jit3A = arith.constant 4 : i32
    %div3A = arith.divsi %add3A, %jit3A : i32
    %sign3A = arith.constant 0 : i32
    %sign3A_1 = arith.cmpi sgt, %add3A, %sign3A : i32
    %sign3A_2 = arith.extui %sign3A_1 : i1 to i32
    %sign3A_3 = arith.constant 0 : i32
    %sign3A_4 = arith.cmpi slt, %add3A, %sign3A_3 : i32
    %sign3A_5 = arith.extui %sign3A_4 : i1 to i32
    %sign3A_6 = arith.subi %sign3A_2, %sign3A_5 : i32
    %sign3A_7 = arith.constant 0 : i32
    %sign3A_8 = arith.cmpi sgt, %jit3A, %sign3A_7 : i32
    %sign3A_9 = arith.extui %sign3A_8 : i1 to i32
    %sign3A_10 = arith.constant 0 : i32
    %sign3A_11 = arith.cmpi slt, %jit3A, %sign3A_10 : i32
    %sign3A_12 = arith.extui %sign3A_11 : i1 to i32
    %sign3A_13 = arith.subi %sign3A_9, %sign3A_12 : i32
    %ne3A = arith.cmpi ne, %sign3A_6, %sign3A_13 : i32
    %rem3A = arith.remsi %add3A, %jit3A : i32
    %ne3A_14 = arith.constant 0 : i32
    %ne3A_15 = arith.cmpi ne, %rem3A, %ne3A_14 : i32
    %and3A = arith.andi %ne3A, %ne3A_15 : i1
    %sub3A = arith.constant 1 : i32
    %sub3A_16 = arith.subi %div3A, %sub3A : i32
    %select_n3A = arith.select %and3A, %sub3A_16, %div3A : i32
    "tpu.region"() ({
      %run_scoped3A = tpu.sem_alloc : memref<!tpu.dma_semaphore, #tpu.memory_space<semaphore_mem>>
      %dma_start3A = arith.constant 0 : i32
      %dma_start3A_21 = tpu.memref_slice %arg4[%select_n3A, %dma_start3A] : memref<8x512xi32, #tpu.memory_space<hbm>> -> memref<1x512xi32, #tpu.memory_space<hbm>>
      %dma_start3A_22 = tpu.memref_squeeze %dma_start3A_21 : memref<1x512xi32, #tpu.memory_space<hbm>> -> memref<512xi32, #tpu.memory_space<hbm>>
      %dma_start3A_23 = arith.constant 0 : i32
      %dma_start3A_24 = tpu.memref_slice %arg4[%select_n3A, %dma_start3A_23] : memref<8x512xi32, #tpu.memory_space<hbm>> -> memref<1x512xi32, #tpu.memory_space<hbm>>
      %dma_start3A_25 = tpu.memref_squeeze %dma_start3A_24 : memref<1x512xi32, #tpu.memory_space<hbm>> -> memref<512xi32, #tpu.memory_space<hbm>>
      tpu.enqueue_dma source(%dma_start3A_25 : memref<512xi32, #tpu.memory_space<hbm>>) target(%arg6 : memref<512xi32, #tpu.memory_space<vmem>>) target_semaphore(%run_scoped3A : memref<!tpu.dma_semaphore, #tpu.memory_space<semaphore_mem>>)
      %dma_wait3A = arith.constant 0 : i32
      %dma_wait3A_26 = tpu.memref_slice %arg4[%select_n3A, %dma_wait3A] : memref<8x512xi32, #tpu.memory_space<hbm>> -> memref<1x512xi32, #tpu.memory_space<hbm>>
      %dma_wait3A_27 = tpu.memref_squeeze %dma_wait3A_26 : memref<1x512xi32, #tpu.memory_space<hbm>> -> memref<512xi32, #tpu.memory_space<hbm>>
      %dma_wait3A_28 = arith.constant 0 : i32
      %dma_wait3A_29 = tpu.memref_slice %arg4[%select_n3A, %dma_wait3A_28] : memref<8x512xi32, #tpu.memory_space<hbm>> -> memref<1x512xi32, #tpu.memory_space<hbm>>
      %dma_wait3A_30 = tpu.memref_squeeze %dma_wait3A_29 : memref<1x512xi32, #tpu.memory_space<hbm>> -> memref<512xi32, #tpu.memory_space<hbm>>
      tpu.wait_dma2 semaphore(%run_scoped3A : memref<!tpu.dma_semaphore, #tpu.memory_space<semaphore_mem>>) src(%dma_wait3A_30 : memref<512xi32, #tpu.memory_space<hbm>>) dst(%arg6 : memref<512xi32, #tpu.memory_space<vmem>>)
      tpu.yield
    }) : () -> ()
    %scan3A = arith.constant 0 : i32
    %scan3A_17 = arith.constant 8 : i32
    %scan3A_18 = arith.addi %scan3A, %scan3A_17 : i32
    %scan3A_19 = arith.constant 1 : i32
    scf.for %scan3A_21 = %scan3A to %scan3A_18 step %scan3A_19  : i32 {
      %mul3A_22 = arith.constant 1 : i32
      %mul3A_23 = arith.muli %scan3A_21, %mul3A_22 : i32
      %add3A_24 = arith.constant 0 : i32
      %add3A_25 = arith.addi %add3A_24, %mul3A_23 : i32
      %mul3A_26 = arith.constant 8 : i32
      %mul3A_27 = arith.muli %add3A, %mul3A_26 : i32
      %add3A_28 = arith.addi %mul3A_27, %add3A_25 : i32
      %mul3A_29 = arith.constant 100096 : i32
      %mul3A_30 = arith.muli %add3A_28, %mul3A_29 : i32
      %scan3A_31 = arith.constant 0 : i32
      %scan3A_32 = arith.constant 8 : i32
      %scan3A_33 = arith.addi %scan3A_31, %scan3A_32 : i32
      %scan3A_34 = arith.constant 1 : i32
      scf.for %scan3A_231 = %scan3A_31 to %scan3A_33 step %scan3A_34  : i32 {
        %mul3A_232 = arith.constant 1 : i32
        %mul3A_233 = arith.muli %scan3A_231, %mul3A_232 : i32
        %add3A_234 = arith.constant 0 : i32
        %add3A_235 = arith.addi %add3A_234, %mul3A_233 : i32
        %mul3A_236 = arith.constant 16 : i32
        %mul3A_237 = arith.muli %add3A_235, %mul3A_236 : i32
        %add3A_238 = arith.constant 0 : i32
        %add3A_239 = arith.addi %add3A_238, %mul3A_237 : i32
        %get3A = arith.index_cast %add3A_239 : i32 to index
        %get3A_240 = tpu.vector_load %arg6[%get3A] {strides = array<i32>} : memref<512xi32, #tpu.memory_space<vmem>>, vector<16xi32>,
        %add3A_241 = vector.broadcast %mul3A_30 : i32 to vector<16xi32>
        %add3A_242 = arith.addi %get3A_240, %add3A_241 : vector<16xi32>
        %mul3A_243 = arith.constant 16 : i32
        %mul3A_244 = arith.muli %add3A_235, %mul3A_243 : i32
        %swap3A = arith.constant 0 : i32
        %swap3A_245 = arith.index_cast %swap3A : i32 to index
        %swap3A_246 = arith.index_cast %mul3A_244 : i32 to index
        %swap3A_247 = tpu.vector_load %arg7[%swap3A_245, %swap3A_246] {strides = array<i32>} : memref<4x128xi32, #tpu.memory_space<vmem>>, vector<16xi32>,
        tpu.vector_store %arg7[%swap3A_245, %swap3A_246], %add3A_242 {strides = array<i32>} : memref<4x128xi32, #tpu.memory_space<vmem>>, vector<16xi32>,
      }
      %scan3A_35 = arith.constant 8 : i32
      %scan3A_36 = arith.constant 0 : i32
      %scan3A_37 = arith.constant 8 : i32
      %scan3A_38 = arith.addi %scan3A_36, %scan3A_37 : i32
      %scan3A_39 = arith.constant 1 : i32
      scf.for %scan3A_231 = %scan3A_36 to %scan3A_38 step %scan3A_39  : i32 {
        %mul3A_232 = arith.constant 1 : i32
        %mul3A_233 = arith.muli %scan3A_231, %mul3A_232 : i32
        %add3A_234 = arith.constant 0 : i32
        %add3A_235 = arith.addi %add3A_234, %mul3A_233 : i32
        %mul3A_236 = arith.constant 16 : i32
        %mul3A_237 = arith.muli %add3A_235, %mul3A_236 : i32
        %add3A_238 = arith.constant 128 : i32
        %add3A_239 = arith.addi %add3A_238, %mul3A_237 : i32
        %get3A = arith.index_cast %add3A_239 : i32 to index
        %get3A_240 = tpu.vector_load %arg6[%get3A] {strides = array<i32>} : memref<512xi32, #tpu.memory_space<vmem>>, vector<16xi32>,
        %add3A_241 = vector.broadcast %mul3A_30 : i32 to vector<16xi32>
        %add3A_242 = arith.addi %get3A_240, %add3A_241 : vector<16xi32>
        %mul3A_243 = arith.constant 16 : i32
        %mul3A_244 = arith.muli %add3A_235, %mul3A_243 : i32
        %swap3A = arith.constant 1 : i32
        %swap3A_245 = arith.index_cast %swap3A : i32 to index
        %swap3A_246 = arith.index_cast %mul3A_244 : i32 to index
        %swap3A_247 = tpu.vector_load %arg7[%swap3A_245, %swap3A_246] {strides = array<i32>} : memref<4x128xi32, #tpu.memory_space<vmem>>, vector<16xi32>,
        tpu.vector_store %arg7[%swap3A_245, %swap3A_246], %add3A_242 {strides = array<i32>} : memref<4x128xi32, #tpu.memory_space<vmem>>, vector<16xi32>,
      }
      %scan3A_40 = arith.constant 8 : i32
      %scan3A_41 = arith.constant 0 : i32
      %scan3A_42 = arith.constant 8 : i32
      %scan3A_43 = arith.addi %scan3A_41, %scan3A_42 : i32
      %scan3A_44 = arith.constant 1 : i32
      scf.for %scan3A_231 = %scan3A_41 to %scan3A_43 step %scan3A_44  : i32 {
        %mul3A_232 = arith.constant 1 : i32
        %mul3A_233 = arith.muli %scan3A_231, %mul3A_232 : i32
        %add3A_234 = arith.constant 0 : i32
        %add3A_235 = arith.addi %add3A_234, %mul3A_233 : i32
        %mul3A_236 = arith.constant 16 : i32
        %mul3A_237 = arith.muli %add3A_235, %mul3A_236 : i32
        %add3A_238 = arith.constant 256 : i32
        %add3A_239 = arith.addi %add3A_238, %mul3A_237 : i32
        %get3A = arith.index_cast %add3A_239 : i32 to index
        %get3A_240 = tpu.vector_load %arg6[%get3A] {strides = array<i32>} : memref<512xi32, #tpu.memory_space<vmem>>, vector<16xi32>,
        %add3A_241 = vector.broadcast %mul3A_30 : i32 to vector<16xi32>
        %add3A_242 = arith.addi %get3A_240, %add3A_241 : vector<16xi32>
        %mul3A_243 = arith.constant 16 : i32
        %mul3A_244 = arith.muli %add3A_235, %mul3A_243 : i32
        %swap3A = arith.constant 2 : i32
        %swap3A_245 = arith.index_cast %swap3A : i32 to index
        %swap3A_246 = arith.index_cast %mul3A_244 : i32 to index
        %swap3A_247 = tpu.vector_load %arg7[%swap3A_245, %swap3A_246] {strides = array<i32>} : memref<4x128xi32, #tpu.memory_space<vmem>>, vector<16xi32>,
        tpu.vector_store %arg7[%swap3A_245, %swap3A_246], %add3A_242 {strides = array<i32>} : memref<4x128xi32, #tpu.memory_space<vmem>>, vector<16xi32>,
      }
      %scan3A_45 = arith.constant 8 : i32
      %scan3A_46 = arith.constant 0 : i32
      %scan3A_47 = arith.constant 8 : i32
      %scan3A_48 = arith.addi %scan3A_46, %scan3A_47 : i32
      %scan3A_49 = arith.constant 1 : i32
      scf.for %scan3A_231 = %scan3A_46 to %scan3A_48 step %scan3A_49  : i32 {
        %mul3A_232 = arith.constant 1 : i32
        %mul3A_233 = arith.muli %scan3A_231, %mul3A_232 : i32
        %add3A_234 = arith.constant 0 : i32
        %add3A_235 = arith.addi %add3A_234, %mul3A_233 : i32
        %mul3A_236 = arith.constant 16 : i32
        %mul3A_237 = arith.muli %add3A_235, %mul3A_236 : i32
        %add3A_238 = arith.constant 384 : i32
        %add3A_239 = arith.addi %add3A_238, %mul3A_237 : i32
        %get3A = arith.index_cast %add3A_239 : i32 to index
        %get3A_240 = tpu.vector_load %arg6[%get3A] {strides = array<i32>} : memref<512xi32, #tpu.memory_space<vmem>>, vector<16xi32>,
        %add3A_241 = vector.broadcast %mul3A_30 : i32 to vector<16xi32>
        %add3A_242 = arith.addi %get3A_240, %add3A_241 : vector<16xi32>
        %mul3A_243 = arith.constant 16 : i32
        %mul3A_244 = arith.muli %add3A_235, %mul3A_243 : i32
        %swap3A = arith.constant 3 : i32
        %swap3A_245 = arith.index_cast %swap3A : i32 to index
        %swap3A_246 = arith.index_cast %mul3A_244 : i32 to index
        %swap3A_247 = tpu.vector_load %arg7[%swap3A_245, %swap3A_246] {strides = array<i32>} : memref<4x128xi32, #tpu.memory_space<vmem>>, vector<16xi32>,
        tpu.vector_store %arg7[%swap3A_245, %swap3A_246], %add3A_242 {strides = array<i32>} : memref<4x128xi32, #tpu.memory_space<vmem>>, vector<16xi32>,
      }
      %scan3A_50 = arith.constant 8 : i32
      %mul3A_51 = arith.constant 512 : i32
      %mul3A_52 = arith.muli %add3A_28, %mul3A_51 : i32
      "tpu.region"() ({
        %run_scoped3A = tpu.sem_alloc : memref<!tpu.dma_semaphore, #tpu.memory_space<semaphore_mem>>
        %dma_start3A_231 = tpu.memref_slice %arg3[%mul3A_52] : memref<131072xf32, #tpu.memory_space<hbm>> -> memref<512xf32, #tpu.memory_space<hbm>>
        %dma_start3A_232 = tpu.memref_slice %arg3[%mul3A_52] : memref<131072xf32, #tpu.memory_space<hbm>> -> memref<512xf32, #tpu.memory_space<hbm>>
        tpu.enqueue_dma source(%dma_start3A_232 : memref<512xf32, #tpu.memory_space<hbm>>) target(%arg9 : memref<512xf32, #tpu.memory_space<vmem>>) target_semaphore(%run_scoped3A : memref<!tpu.dma_semaphore, #tpu.memory_space<semaphore_mem>>)
        %dma_wait3A_233 = tpu.memref_slice %arg3[%mul3A_52] : memref<131072xf32, #tpu.memory_space<hbm>> -> memref<512xf32, #tpu.memory_space<hbm>>
        %dma_wait3A_234 = tpu.memref_slice %arg3[%mul3A_52] : memref<131072xf32, #tpu.memory_space<hbm>> -> memref<512xf32, #tpu.memory_space<hbm>>
        tpu.wait_dma2 semaphore(%run_scoped3A : memref<!tpu.dma_semaphore, #tpu.memory_space<semaphore_mem>>) src(%dma_wait3A_234 : memref<512xf32, #tpu.memory_space<hbm>>) dst(%arg9 : memref<512xf32, #tpu.memory_space<vmem>>)
        tpu.yield
      }) : () -> ()
      %dma_start3A = arith.constant 0 : i32
      %dma_start3A_53 = arith.constant 0 : i32
      %dma_start3A_54 = arith.constant 0 : i32
      %dma_start3A_55 = tpu.memref_slice %arg8[%dma_start3A_53, %dma_start3A_54] : memref<4x128xf32, #tpu.memory_space<vmem>> -> memref<1x128xf32, #tpu.memory_space<vmem>>
      %dma_start3A_56 = tpu.memref_squeeze %dma_start3A_55 : memref<1x128xf32, #tpu.memory_space<vmem>> -> memref<128xf32, #tpu.memory_space<vmem>>
      %dma_start3A_57 = arith.constant 0 : i32
      %dma_start3A_58 = tpu.memref_slice %arg7[%dma_start3A, %dma_start3A_57] : memref<4x128xi32, #tpu.memory_space<vmem>> -> memref<1x128xi32, #tpu.memory_space<vmem>>
      %dma_start3A_59 = tpu.memref_squeeze %dma_start3A_58 : memref<1x128xi32, #tpu.memory_space<vmem>> -> memref<128xi32, #tpu.memory_space<vmem>>
      %dma_start3A_60 = arith.constant 0 : i32
      %dma_start3A_61 = tpu.memref_slice %arg2[%dma_start3A_60] : memref<25624576xf32, #tpu.memory_space<hbm>> -> memref<25624576xf32, #tpu.memory_space<hbm>>
      tpu.enqueue_indirect_dma source(%dma_start3A_61 : memref<25624576xf32, #tpu.memory_space<hbm>>) target(%dma_start3A_56 : memref<128xf32, #tpu.memory_space<vmem>>) offsets(%dma_start3A_59 : memref<128xi32, #tpu.memory_space<vmem>>) semaphore(%arg10 : memref<!tpu.dma_semaphore, #tpu.memory_space<semaphore_mem>>)
      %dma_start3A_62 = arith.constant 1 : i32
      %dma_start3A_63 = arith.constant 1 : i32
      %dma_start3A_64 = arith.constant 0 : i32
      %dma_start3A_65 = tpu.memref_slice %arg8[%dma_start3A_63, %dma_start3A_64] : memref<4x128xf32, #tpu.memory_space<vmem>> -> memref<1x128xf32, #tpu.memory_space<vmem>>
      %dma_start3A_66 = tpu.memref_squeeze %dma_start3A_65 : memref<1x128xf32, #tpu.memory_space<vmem>> -> memref<128xf32, #tpu.memory_space<vmem>>
      %dma_start3A_67 = arith.constant 0 : i32
      %dma_start3A_68 = tpu.memref_slice %arg7[%dma_start3A_62, %dma_start3A_67] : memref<4x128xi32, #tpu.memory_space<vmem>> -> memref<1x128xi32, #tpu.memory_space<vmem>>
      %dma_start3A_69 = tpu.memref_squeeze %dma_start3A_68 : memref<1x128xi32, #tpu.memory_space<vmem>> -> memref<128xi32, #tpu.memory_space<vmem>>
      %dma_start3A_70 = arith.constant 0 : i32
      %dma_start3A_71 = tpu.memref_slice %arg2[%dma_start3A_70] : memref<25624576xf32, #tpu.memory_space<hbm>> -> memref<25624576xf32, #tpu.memory_space<hbm>>
      tpu.enqueue_indirect_dma source(%dma_start3A_71 : memref<25624576xf32, #tpu.memory_space<hbm>>) target(%dma_start3A_66 : memref<128xf32, #tpu.memory_space<vmem>>) offsets(%dma_start3A_69 : memref<128xi32, #tpu.memory_space<vmem>>) semaphore(%arg10 : memref<!tpu.dma_semaphore, #tpu.memory_space<semaphore_mem>>)
      %dma_start3A_72 = arith.constant 2 : i32
      %dma_start3A_73 = arith.constant 2 : i32
      %dma_start3A_74 = arith.constant 0 : i32
      %dma_start3A_75 = tpu.memref_slice %arg8[%dma_start3A_73, %dma_start3A_74] : memref<4x128xf32, #tpu.memory_space<vmem>> -> memref<1x128xf32, #tpu.memory_space<vmem>>
      %dma_start3A_76 = tpu.memref_squeeze %dma_start3A_75 : memref<1x128xf32, #tpu.memory_space<vmem>> -> memref<128xf32, #tpu.memory_space<vmem>>
      %dma_start3A_77 = arith.constant 0 : i32
      %dma_start3A_78 = tpu.memref_slice %arg7[%dma_start3A_72, %dma_start3A_77] : memref<4x128xi32, #tpu.memory_space<vmem>> -> memref<1x128xi32, #tpu.memory_space<vmem>>
      %dma_start3A_79 = tpu.memref_squeeze %dma_start3A_78 : memref<1x128xi32, #tpu.memory_space<vmem>> -> memref<128xi32, #tpu.memory_space<vmem>>
      %dma_start3A_80 = arith.constant 0 : i32
      %dma_start3A_81 = tpu.memref_slice %arg2[%dma_start3A_80] : memref<25624576xf32, #tpu.memory_space<hbm>> -> memref<25624576xf32, #tpu.memory_space<hbm>>
      tpu.enqueue_indirect_dma source(%dma_start3A_81 : memref<25624576xf32, #tpu.memory_space<hbm>>) target(%dma_start3A_76 : memref<128xf32, #tpu.memory_space<vmem>>) offsets(%dma_start3A_79 : memref<128xi32, #tpu.memory_space<vmem>>) semaphore(%arg10 : memref<!tpu.dma_semaphore, #tpu.memory_space<semaphore_mem>>)
      %dma_start3A_82 = arith.constant 3 : i32
      %dma_start3A_83 = arith.constant 3 : i32
      %dma_start3A_84 = arith.constant 0 : i32
      %dma_start3A_85 = tpu.memref_slice %arg8[%dma_start3A_83, %dma_start3A_84] : memref<4x128xf32, #tpu.memory_space<vmem>> -> memref<1x128xf32, #tpu.memory_space<vmem>>
      %dma_start3A_86 = tpu.memref_squeeze %dma_start3A_85 : memref<1x128xf32, #tpu.memory_space<vmem>> -> memref<128xf32, #tpu.memory_space<vmem>>
      %dma_start3A_87 = arith.constant 0 : i32
      %dma_start3A_88 = tpu.memref_slice %arg7[%dma_start3A_82, %dma_start3A_87] : memref<4x128xi32, #tpu.memory_space<vmem>> -> memref<1x128xi32, #tpu.memory_space<vmem>>
      %dma_start3A_89 = tpu.memref_squeeze %dma_start3A_88 : memref<1x128xi32, #tpu.memory_space<vmem>> -> memref<128xi32, #tpu.memory_space<vmem>>
      %dma_start3A_90 = arith.constant 0 : i32
      %dma_start3A_91 = tpu.memref_slice %arg2[%dma_start3A_90] : memref<25624576xf32, #tpu.memory_space<hbm>> -> memref<25624576xf32, #tpu.memory_space<hbm>>
      tpu.enqueue_indirect_dma source(%dma_start3A_91 : memref<25624576xf32, #tpu.memory_space<hbm>>) target(%dma_start3A_86 : memref<128xf32, #tpu.memory_space<vmem>>) offsets(%dma_start3A_89 : memref<128xi32, #tpu.memory_space<vmem>>) semaphore(%arg10 : memref<!tpu.dma_semaphore, #tpu.memory_space<semaphore_mem>>)
      %dma_wait3A = arith.constant 0 : i32
      %dma_wait3A_92 = arith.constant 0 : i32
      %dma_wait3A_93 = arith.constant 0 : i32
      %dma_wait3A_94 = tpu.memref_slice %arg8[%dma_wait3A_92, %dma_wait3A_93] : memref<4x128xf32, #tpu.memory_space<vmem>> -> memref<1x128xf32, #tpu.memory_space<vmem>>
      %dma_wait3A_95 = tpu.memref_squeeze %dma_wait3A_94 : memref<1x128xf32, #tpu.memory_space<vmem>> -> memref<128xf32, #tpu.memory_space<vmem>>
      %dma_wait3A_96 = arith.constant 0 : i32
      %dma_wait3A_97 = tpu.memref_slice %arg7[%dma_wait3A, %dma_wait3A_96] : memref<4x128xi32, #tpu.memory_space<vmem>> -> memref<1x128xi32, #tpu.memory_space<vmem>>
      %dma_wait3A_98 = tpu.memref_squeeze %dma_wait3A_97 : memref<1x128xi32, #tpu.memory_space<vmem>> -> memref<128xi32, #tpu.memory_space<vmem>>
      %dma_wait3A_99 = arith.constant 0 : i32
      %dma_wait3A_100 = tpu.memref_slice %arg2[%dma_wait3A_99] : memref<25624576xf32, #tpu.memory_space<hbm>> -> memref<25624576xf32, #tpu.memory_space<hbm>>
      tpu.wait_indirect_dma semaphore(%arg10 : memref<!tpu.dma_semaphore, #tpu.memory_space<semaphore_mem>>) src(%dma_wait3A_100 : memref<25624576xf32, #tpu.memory_space<hbm>>) dst(%dma_wait3A_95 : memref<128xf32, #tpu.memory_space<vmem>>)
      %dma_wait3A_101 = arith.constant 1 : i32
      %dma_wait3A_102 = arith.constant 1 : i32
      %dma_wait3A_103 = arith.constant 0 : i32
      %dma_wait3A_104 = tpu.memref_slice %arg8[%dma_wait3A_102, %dma_wait3A_103] : memref<4x128xf32, #tpu.memory_space<vmem>> -> memref<1x128xf32, #tpu.memory_space<vmem>>
      %dma_wait3A_105 = tpu.memref_squeeze %dma_wait3A_104 : memref<1x128xf32, #tpu.memory_space<vmem>> -> memref<128xf32, #tpu.memory_space<vmem>>
      %dma_wait3A_106 = arith.constant 0 : i32
      %dma_wait3A_107 = tpu.memref_slice %arg7[%dma_wait3A_101, %dma_wait3A_106] : memref<4x128xi32, #tpu.memory_space<vmem>> -> memref<1x128xi32, #tpu.memory_space<vmem>>
      %dma_wait3A_108 = tpu.memref_squeeze %dma_wait3A_107 : memref<1x128xi32, #tpu.memory_space<vmem>> -> memref<128xi32, #tpu.memory_space<vmem>>
      %dma_wait3A_109 = arith.constant 0 : i32
      %dma_wait3A_110 = tpu.memref_slice %arg2[%dma_wait3A_109] : memref<25624576xf32, #tpu.memory_space<hbm>> -> memref<25624576xf32, #tpu.memory_space<hbm>>
      tpu.wait_indirect_dma semaphore(%arg10 : memref<!tpu.dma_semaphore, #tpu.memory_space<semaphore_mem>>) src(%dma_wait3A_110 : memref<25624576xf32, #tpu.memory_space<hbm>>) dst(%dma_wait3A_105 : memref<128xf32, #tpu.memory_space<vmem>>)
      %dma_wait3A_111 = arith.constant 2 : i32
      %dma_wait3A_112 = arith.constant 2 : i32
      %dma_wait3A_113 = arith.constant 0 : i32
      %dma_wait3A_114 = tpu.memref_slice %arg8[%dma_wait3A_112, %dma_wait3A_113] : memref<4x128xf32, #tpu.memory_space<vmem>> -> memref<1x128xf32, #tpu.memory_space<vmem>>
      %dma_wait3A_115 = tpu.memref_squeeze %dma_wait3A_114 : memref<1x128xf32, #tpu.memory_space<vmem>> -> memref<128xf32, #tpu.memory_space<vmem>>
      %dma_wait3A_116 = arith.constant 0 : i32
      %dma_wait3A_117 = tpu.memref_slice %arg7[%dma_wait3A_111, %dma_wait3A_116] : memref<4x128xi32, #tpu.memory_space<vmem>> -> memref<1x128xi32, #tpu.memory_space<vmem>>
      %dma_wait3A_118 = tpu.memref_squeeze %dma_wait3A_117 : memref<1x128xi32, #tpu.memory_space<vmem>> -> memref<128xi32, #tpu.memory_space<vmem>>
      %dma_wait3A_119 = arith.constant 0 : i32
      %dma_wait3A_120 = tpu.memref_slice %arg2[%dma_wait3A_119] : memref<25624576xf32, #tpu.memory_space<hbm>> -> memref<25624576xf32, #tpu.memory_space<hbm>>
      tpu.wait_indirect_dma semaphore(%arg10 : memref<!tpu.dma_semaphore, #tpu.memory_space<semaphore_mem>>) src(%dma_wait3A_120 : memref<25624576xf32, #tpu.memory_space<hbm>>) dst(%dma_wait3A_115 : memref<128xf32, #tpu.memory_space<vmem>>)
      %dma_wait3A_121 = arith.constant 3 : i32
      %dma_wait3A_122 = arith.constant 3 : i32
      %dma_wait3A_123 = arith.constant 0 : i32
      %dma_wait3A_124 = tpu.memref_slice %arg8[%dma_wait3A_122, %dma_wait3A_123] : memref<4x128xf32, #tpu.memory_space<vmem>> -> memref<1x128xf32, #tpu.memory_space<vmem>>
      %dma_wait3A_125 = tpu.memref_squeeze %dma_wait3A_124 : memref<1x128xf32, #tpu.memory_space<vmem>> -> memref<128xf32, #tpu.memory_space<vmem>>
      %dma_wait3A_126 = arith.constant 0 : i32
      %dma_wait3A_127 = tpu.memref_slice %arg7[%dma_wait3A_121, %dma_wait3A_126] : memref<4x128xi32, #tpu.memory_space<vmem>> -> memref<1x128xi32, #tpu.memory_space<vmem>>
      %dma_wait3A_128 = tpu.memref_squeeze %dma_wait3A_127 : memref<1x128xi32, #tpu.memory_space<vmem>> -> memref<128xi32, #tpu.memory_space<vmem>>
      %dma_wait3A_129 = arith.constant 0 : i32
      %dma_wait3A_130 = tpu.memref_slice %arg2[%dma_wait3A_129] : memref<25624576xf32, #tpu.memory_space<hbm>> -> memref<25624576xf32, #tpu.memory_space<hbm>>
      tpu.wait_indirect_dma semaphore(%arg10 : memref<!tpu.dma_semaphore, #tpu.memory_space<semaphore_mem>>) src(%dma_wait3A_130 : memref<25624576xf32, #tpu.memory_space<hbm>>) dst(%dma_wait3A_125 : memref<128xf32, #tpu.memory_space<vmem>>)
      %scan3A_131 = arith.constant 0 : i32
      %scan3A_132 = arith.constant 8 : i32
      %scan3A_133 = arith.addi %scan3A_131, %scan3A_132 : i32
      %scan3A_134 = arith.constant 1 : i32
      scf.for %scan3A_231 = %scan3A_131 to %scan3A_133 step %scan3A_134  : i32 {
        %mul3A_232 = arith.constant 1 : i32
        %mul3A_233 = arith.muli %scan3A_231, %mul3A_232 : i32
        %add3A_234 = arith.constant 0 : i32
        %add3A_235 = arith.addi %add3A_234, %mul3A_233 : i32
        %mul3A_236 = arith.constant 16 : i32
        %mul3A_237 = arith.muli %add3A_235, %mul3A_236 : i32
        %get3A = arith.constant 0 : i32
        %get3A_238 = arith.index_cast %get3A : i32 to index
        %get3A_239 = arith.index_cast %mul3A_237 : i32 to index
        %get3A_240 = tpu.vector_load %arg8[%get3A_238, %get3A_239] {strides = array<i32>} : memref<4x128xf32, #tpu.memory_space<vmem>>, vector<16xf32>,
        %exp3A = math.exp %get3A_240 : vector<16xf32>
        %mul3A_241 = arith.constant 16 : i32
        %mul3A_242 = arith.muli %add3A_235, %mul3A_241 : i32
        %add3A_243 = arith.constant 0 : i32
        %add3A_244 = arith.addi %add3A_243, %mul3A_242 : i32
        %get3A_245 = arith.index_cast %add3A_244 : i32 to index
        %get3A_246 = tpu.vector_load %arg9[%get3A_245] {strides = array<i32>} : memref<512xf32, #tpu.memory_space<vmem>>, vector<16xf32>,
        %add3A_247 = arith.addf %exp3A, %get3A_246 : vector<16xf32>
        %bitcast3A = vector.bitcast %add3A_247 : vector<16xf32> to vector<16xi32>
        %shift_right_logical3A = arith.constant 23 : i32
        %shift_right_logical3A_248 = vector.broadcast %shift_right_logical3A : i32 to vector<16xi32>
        %shift_right_logical3A_249 = arith.shrui %bitcast3A, %shift_right_logical3A_248 : vector<16xi32>
        %sub3A_250 = arith.constant 127 : i32
        %sub3A_251 = vector.broadcast %sub3A_250 : i32 to vector<16xi32>
        %sub3A_252 = arith.subi %shift_right_logical3A_249, %sub3A_251 : vector<16xi32>
        %and3A_253 = arith.constant 8388607 : i32
        %and3A_254 = vector.broadcast %and3A_253 : i32 to vector<16xi32>
        %and3A_255 = arith.andi %bitcast3A, %and3A_254 : vector<16xi32>
        %or3A = arith.constant 1065353216 : i32
        %or3A_256 = vector.broadcast %or3A : i32 to vector<16xi32>
        %or3A_257 = arith.ori %and3A_255, %or3A_256 : vector<16xi32>
        %bitcast3A_258 = vector.bitcast %or3A_257 : vector<16xi32> to vector<16xf32>
        %gt3A = arith.constant 1.41421354 : f32
        %gt3A_259 = vector.broadcast %gt3A : f32 to vector<16xf32>
        %gt3A_260 = arith.cmpf ogt, %bitcast3A_258, %gt3A_259 : vector<16xf32>
        %mul3A_261 = arith.constant 5.000000e-01 : f32
        %mul3A_262 = vector.broadcast %mul3A_261 : f32 to vector<16xf32>
        %mul3A_263 = arith.mulf %bitcast3A_258, %mul3A_262 : vector<16xf32>
        %select_n3A_264 = arith.select %gt3A_260, %mul3A_263, %bitcast3A_258 : vector<16xi1>, vector<16xf32>
        %jit3A_265 = arith.constant 1 : i32
        %jit3A_266 = arith.constant 0 : i32
        %broadcast_in_dim3A = vector.broadcast %jit3A_265 : i32 to vector<16xi32>
        %broadcast_in_dim3A_267 = vector.broadcast %jit3A_266 : i32 to vector<16xi32>
        %select_n3A_268 = arith.select %gt3A_260, %broadcast_in_dim3A, %broadcast_in_dim3A_267 : vector<16xi1>, vector<16xi32>
        %add3A_269 = arith.addi %sub3A_252, %select_n3A_268 : vector<16xi32>
        %sub3A_270 = arith.constant 1.000000e+00 : f32
        %sub3A_271 = vector.broadcast %sub3A_270 : f32 to vector<16xf32>
        %sub3A_272 = arith.subf %select_n3A_264, %sub3A_271 : vector<16xf32>
        %add3A_273 = arith.constant 1.000000e+00 : f32
        %add3A_274 = vector.broadcast %add3A_273 : f32 to vector<16xf32>
        %add3A_275 = arith.addf %select_n3A_264, %add3A_274 : vector<16xf32>
        %div3A_276 = arith.divf %sub3A_272, %add3A_275 : vector<16xf32>
        %mul3A_277 = arith.mulf %div3A_276, %div3A_276 : vector<16xf32>
        %mul3A_278 = arith.constant 2.000000e+00 : f32
        %mul3A_279 = vector.broadcast %mul3A_278 : f32 to vector<16xf32>
        %mul3A_280 = arith.mulf %mul3A_279, %div3A_276 : vector<16xf32>
        %mul3A_281 = arith.constant 0.111111112 : f32
        %mul3A_282 = vector.broadcast %mul3A_281 : f32 to vector<16xf32>
        %mul3A_283 = arith.mulf %mul3A_277, %mul3A_282 : vector<16xf32>
        %add3A_284 = arith.constant 0.142857149 : f32
        %add3A_285 = vector.broadcast %add3A_284 : f32 to vector<16xf32>
        %add3A_286 = arith.addf %add3A_285, %mul3A_283 : vector<16xf32>
        %mul3A_287 = arith.mulf %mul3A_277, %add3A_286 : vector<16xf32>
        %add3A_288 = arith.constant 2.000000e-01 : f32
        %add3A_289 = vector.broadcast %add3A_288 : f32 to vector<16xf32>
        %add3A_290 = arith.addf %add3A_289, %mul3A_287 : vector<16xf32>
        %mul3A_291 = arith.mulf %mul3A_277, %add3A_290 : vector<16xf32>
        %add3A_292 = arith.constant 0.333333343 : f32
        %add3A_293 = vector.broadcast %add3A_292 : f32 to vector<16xf32>
        %add3A_294 = arith.addf %add3A_293, %mul3A_291 : vector<16xf32>
        %mul3A_295 = arith.mulf %mul3A_277, %add3A_294 : vector<16xf32>
        %add3A_296 = arith.constant 1.000000e+00 : f32
        %add3A_297 = vector.broadcast %add3A_296 : f32 to vector<16xf32>
        %add3A_298 = arith.addf %add3A_297, %mul3A_295 : vector<16xf32>
        %mul3A_299 = arith.mulf %mul3A_280, %add3A_298 : vector<16xf32>
        %convert_element_type3A = arith.sitofp %add3A_269 : vector<16xi32> to vector<16xf32>
        %mul3A_300 = arith.constant 0.693147182 : f32
        %mul3A_301 = vector.broadcast %mul3A_300 : f32 to vector<16xf32>
        %mul3A_302 = arith.mulf %convert_element_type3A, %mul3A_301 : vector<16xf32>
        %add3A_303 = arith.addf %mul3A_299, %mul3A_302 : vector<16xf32>
        %mul3A_304 = arith.constant 16 : i32
        %mul3A_305 = arith.muli %add3A_235, %mul3A_304 : i32
        %swap3A = arith.constant 0 : i32
        %swap3A_306 = arith.index_cast %swap3A : i32 to index
        %swap3A_307 = arith.index_cast %mul3A_305 : i32 to index
        %swap3A_308 = tpu.vector_load %arg8[%swap3A_306, %swap3A_307] {strides = array<i32>} : memref<4x128xf32, #tpu.memory_space<vmem>>, vector<16xf32>,
        tpu.vector_store %arg8[%swap3A_306, %swap3A_307], %add3A_303 {strides = array<i32>} : memref<4x128xf32, #tpu.memory_space<vmem>>, vector<16xf32>,
      }
      %scan3A_135 = arith.constant 8 : i32
      %scan3A_136 = arith.constant 0 : i32
      %scan3A_137 = arith.constant 8 : i32
      %scan3A_138 = arith.addi %scan3A_136, %scan3A_137 : i32
      %scan3A_139 = arith.constant 1 : i32
      scf.for %scan3A_231 = %scan3A_136 to %scan3A_138 step %scan3A_139  : i32 {
        %mul3A_232 = arith.constant 1 : i32
        %mul3A_233 = arith.muli %scan3A_231, %mul3A_232 : i32
        %add3A_234 = arith.constant 0 : i32
        %add3A_235 = arith.addi %add3A_234, %mul3A_233 : i32
        %mul3A_236 = arith.constant 16 : i32
        %mul3A_237 = arith.muli %add3A_235, %mul3A_236 : i32
        %get3A = arith.constant 1 : i32
        %get3A_238 = arith.index_cast %get3A : i32 to index
        %get3A_239 = arith.index_cast %mul3A_237 : i32 to index
        %get3A_240 = tpu.vector_load %arg8[%get3A_238, %get3A_239] {strides = array<i32>} : memref<4x128xf32, #tpu.memory_space<vmem>>, vector<16xf32>,
        %exp3A = math.exp %get3A_240 : vector<16xf32>
        %mul3A_241 = arith.constant 16 : i32
        %mul3A_242 = arith.muli %add3A_235, %mul3A_241 : i32
        %add3A_243 = arith.constant 128 : i32
        %add3A_244 = arith.addi %add3A_243, %mul3A_242 : i32
        %get3A_245 = arith.index_cast %add3A_244 : i32 to index
        %get3A_246 = tpu.vector_load %arg9[%get3A_245] {strides = array<i32>} : memref<512xf32, #tpu.memory_space<vmem>>, vector<16xf32>,
        %add3A_247 = arith.addf %exp3A, %get3A_246 : vector<16xf32>
        %bitcast3A = vector.bitcast %add3A_247 : vector<16xf32> to vector<16xi32>
        %shift_right_logical3A = arith.constant 23 : i32
        %shift_right_logical3A_248 = vector.broadcast %shift_right_logical3A : i32 to vector<16xi32>
        %shift_right_logical3A_249 = arith.shrui %bitcast3A, %shift_right_logical3A_248 : vector<16xi32>
        %sub3A_250 = arith.constant 127 : i32
        %sub3A_251 = vector.broadcast %sub3A_250 : i32 to vector<16xi32>
        %sub3A_252 = arith.subi %shift_right_logical3A_249, %sub3A_251 : vector<16xi32>
        %and3A_253 = arith.constant 8388607 : i32
        %and3A_254 = vector.broadcast %and3A_253 : i32 to vector<16xi32>
        %and3A_255 = arith.andi %bitcast3A, %and3A_254 : vector<16xi32>
        %or3A = arith.constant 1065353216 : i32
        %or3A_256 = vector.broadcast %or3A : i32 to vector<16xi32>
        %or3A_257 = arith.ori %and3A_255, %or3A_256 : vector<16xi32>
        %bitcast3A_258 = vector.bitcast %or3A_257 : vector<16xi32> to vector<16xf32>
        %gt3A = arith.constant 1.41421354 : f32
        %gt3A_259 = vector.broadcast %gt3A : f32 to vector<16xf32>
        %gt3A_260 = arith.cmpf ogt, %bitcast3A_258, %gt3A_259 : vector<16xf32>
        %mul3A_261 = arith.constant 5.000000e-01 : f32
        %mul3A_262 = vector.broadcast %mul3A_261 : f32 to vector<16xf32>
        %mul3A_263 = arith.mulf %bitcast3A_258, %mul3A_262 : vector<16xf32>
        %select_n3A_264 = arith.select %gt3A_260, %mul3A_263, %bitcast3A_258 : vector<16xi1>, vector<16xf32>
        %jit3A_265 = arith.constant 1 : i32
        %jit3A_266 = arith.constant 0 : i32
        %broadcast_in_dim3A = vector.broadcast %jit3A_265 : i32 to vector<16xi32>
        %broadcast_in_dim3A_267 = vector.broadcast %jit3A_266 : i32 to vector<16xi32>
        %select_n3A_268 = arith.select %gt3A_260, %broadcast_in_dim3A, %broadcast_in_dim3A_267 : vector<16xi1>, vector<16xi32>
        %add3A_269 = arith.addi %sub3A_252, %select_n3A_268 : vector<16xi32>
        %sub3A_270 = arith.constant 1.000000e+00 : f32
        %sub3A_271 = vector.broadcast %sub3A_270 : f32 to vector<16xf32>
        %sub3A_272 = arith.subf %select_n3A_264, %sub3A_271 : vector<16xf32>
        %add3A_273 = arith.constant 1.000000e+00 : f32
        %add3A_274 = vector.broadcast %add3A_273 : f32 to vector<16xf32>
        %add3A_275 = arith.addf %select_n3A_264, %add3A_274 : vector<16xf32>
        %div3A_276 = arith.divf %sub3A_272, %add3A_275 : vector<16xf32>
        %mul3A_277 = arith.mulf %div3A_276, %div3A_276 : vector<16xf32>
        %mul3A_278 = arith.constant 2.000000e+00 : f32
        %mul3A_279 = vector.broadcast %mul3A_278 : f32 to vector<16xf32>
        %mul3A_280 = arith.mulf %mul3A_279, %div3A_276 : vector<16xf32>
        %mul3A_281 = arith.constant 0.111111112 : f32
        %mul3A_282 = vector.broadcast %mul3A_281 : f32 to vector<16xf32>
        %mul3A_283 = arith.mulf %mul3A_277, %mul3A_282 : vector<16xf32>
        %add3A_284 = arith.constant 0.142857149 : f32
        %add3A_285 = vector.broadcast %add3A_284 : f32 to vector<16xf32>
        %add3A_286 = arith.addf %add3A_285, %mul3A_283 : vector<16xf32>
        %mul3A_287 = arith.mulf %mul3A_277, %add3A_286 : vector<16xf32>
        %add3A_288 = arith.constant 2.000000e-01 : f32
        %add3A_289 = vector.broadcast %add3A_288 : f32 to vector<16xf32>
        %add3A_290 = arith.addf %add3A_289, %mul3A_287 : vector<16xf32>
        %mul3A_291 = arith.mulf %mul3A_277, %add3A_290 : vector<16xf32>
        %add3A_292 = arith.constant 0.333333343 : f32
        %add3A_293 = vector.broadcast %add3A_292 : f32 to vector<16xf32>
        %add3A_294 = arith.addf %add3A_293, %mul3A_291 : vector<16xf32>
        %mul3A_295 = arith.mulf %mul3A_277, %add3A_294 : vector<16xf32>
        %add3A_296 = arith.constant 1.000000e+00 : f32
        %add3A_297 = vector.broadcast %add3A_296 : f32 to vector<16xf32>
        %add3A_298 = arith.addf %add3A_297, %mul3A_295 : vector<16xf32>
        %mul3A_299 = arith.mulf %mul3A_280, %add3A_298 : vector<16xf32>
        %convert_element_type3A = arith.sitofp %add3A_269 : vector<16xi32> to vector<16xf32>
        %mul3A_300 = arith.constant 0.693147182 : f32
        %mul3A_301 = vector.broadcast %mul3A_300 : f32 to vector<16xf32>
        %mul3A_302 = arith.mulf %convert_element_type3A, %mul3A_301 : vector<16xf32>
        %add3A_303 = arith.addf %mul3A_299, %mul3A_302 : vector<16xf32>
        %mul3A_304 = arith.constant 16 : i32
        %mul3A_305 = arith.muli %add3A_235, %mul3A_304 : i32
        %swap3A = arith.constant 1 : i32
        %swap3A_306 = arith.index_cast %swap3A : i32 to index
        %swap3A_307 = arith.index_cast %mul3A_305 : i32 to index
        %swap3A_308 = tpu.vector_load %arg8[%swap3A_306, %swap3A_307] {strides = array<i32>} : memref<4x128xf32, #tpu.memory_space<vmem>>, vector<16xf32>,
        tpu.vector_store %arg8[%swap3A_306, %swap3A_307], %add3A_303 {strides = array<i32>} : memref<4x128xf32, #tpu.memory_space<vmem>>, vector<16xf32>,
      }
      %scan3A_140 = arith.constant 8 : i32
      %scan3A_141 = arith.constant 0 : i32
      %scan3A_142 = arith.constant 8 : i32
      %scan3A_143 = arith.addi %scan3A_141, %scan3A_142 : i32
      %scan3A_144 = arith.constant 1 : i32
      scf.for %scan3A_231 = %scan3A_141 to %scan3A_143 step %scan3A_144  : i32 {
        %mul3A_232 = arith.constant 1 : i32
        %mul3A_233 = arith.muli %scan3A_231, %mul3A_232 : i32
        %add3A_234 = arith.constant 0 : i32
        %add3A_235 = arith.addi %add3A_234, %mul3A_233 : i32
        %mul3A_236 = arith.constant 16 : i32
        %mul3A_237 = arith.muli %add3A_235, %mul3A_236 : i32
        %get3A = arith.constant 2 : i32
        %get3A_238 = arith.index_cast %get3A : i32 to index
        %get3A_239 = arith.index_cast %mul3A_237 : i32 to index
        %get3A_240 = tpu.vector_load %arg8[%get3A_238, %get3A_239] {strides = array<i32>} : memref<4x128xf32, #tpu.memory_space<vmem>>, vector<16xf32>,
        %exp3A = math.exp %get3A_240 : vector<16xf32>
        %mul3A_241 = arith.constant 16 : i32
        %mul3A_242 = arith.muli %add3A_235, %mul3A_241 : i32
        %add3A_243 = arith.constant 256 : i32
        %add3A_244 = arith.addi %add3A_243, %mul3A_242 : i32
        %get3A_245 = arith.index_cast %add3A_244 : i32 to index
        %get3A_246 = tpu.vector_load %arg9[%get3A_245] {strides = array<i32>} : memref<512xf32, #tpu.memory_space<vmem>>, vector<16xf32>,
        %add3A_247 = arith.addf %exp3A, %get3A_246 : vector<16xf32>
        %bitcast3A = vector.bitcast %add3A_247 : vector<16xf32> to vector<16xi32>
        %shift_right_logical3A = arith.constant 23 : i32
        %shift_right_logical3A_248 = vector.broadcast %shift_right_logical3A : i32 to vector<16xi32>
        %shift_right_logical3A_249 = arith.shrui %bitcast3A, %shift_right_logical3A_248 : vector<16xi32>
        %sub3A_250 = arith.constant 127 : i32
        %sub3A_251 = vector.broadcast %sub3A_250 : i32 to vector<16xi32>
        %sub3A_252 = arith.subi %shift_right_logical3A_249, %sub3A_251 : vector<16xi32>
        %and3A_253 = arith.constant 8388607 : i32
        %and3A_254 = vector.broadcast %and3A_253 : i32 to vector<16xi32>
        %and3A_255 = arith.andi %bitcast3A, %and3A_254 : vector<16xi32>
        %or3A = arith.constant 1065353216 : i32
        %or3A_256 = vector.broadcast %or3A : i32 to vector<16xi32>
        %or3A_257 = arith.ori %and3A_255, %or3A_256 : vector<16xi32>
        %bitcast3A_258 = vector.bitcast %or3A_257 : vector<16xi32> to vector<16xf32>
        %gt3A = arith.constant 1.41421354 : f32
        %gt3A_259 = vector.broadcast %gt3A : f32 to vector<16xf32>
        %gt3A_260 = arith.cmpf ogt, %bitcast3A_258, %gt3A_259 : vector<16xf32>
        %mul3A_261 = arith.constant 5.000000e-01 : f32
        %mul3A_262 = vector.broadcast %mul3A_261 : f32 to vector<16xf32>
        %mul3A_263 = arith.mulf %bitcast3A_258, %mul3A_262 : vector<16xf32>
        %select_n3A_264 = arith.select %gt3A_260, %mul3A_263, %bitcast3A_258 : vector<16xi1>, vector<16xf32>
        %jit3A_265 = arith.constant 1 : i32
        %jit3A_266 = arith.constant 0 : i32
        %broadcast_in_dim3A = vector.broadcast %jit3A_265 : i32 to vector<16xi32>
        %broadcast_in_dim3A_267 = vector.broadcast %jit3A_266 : i32 to vector<16xi32>
        %select_n3A_268 = arith.select %gt3A_260, %broadcast_in_dim3A, %broadcast_in_dim3A_267 : vector<16xi1>, vector<16xi32>
        %add3A_269 = arith.addi %sub3A_252, %select_n3A_268 : vector<16xi32>
        %sub3A_270 = arith.constant 1.000000e+00 : f32
        %sub3A_271 = vector.broadcast %sub3A_270 : f32 to vector<16xf32>
        %sub3A_272 = arith.subf %select_n3A_264, %sub3A_271 : vector<16xf32>
        %add3A_273 = arith.constant 1.000000e+00 : f32
        %add3A_274 = vector.broadcast %add3A_273 : f32 to vector<16xf32>
        %add3A_275 = arith.addf %select_n3A_264, %add3A_274 : vector<16xf32>
        %div3A_276 = arith.divf %sub3A_272, %add3A_275 : vector<16xf32>
        %mul3A_277 = arith.mulf %div3A_276, %div3A_276 : vector<16xf32>
        %mul3A_278 = arith.constant 2.000000e+00 : f32
        %mul3A_279 = vector.broadcast %mul3A_278 : f32 to vector<16xf32>
        %mul3A_280 = arith.mulf %mul3A_279, %div3A_276 : vector<16xf32>
        %mul3A_281 = arith.constant 0.111111112 : f32
        %mul3A_282 = vector.broadcast %mul3A_281 : f32 to vector<16xf32>
        %mul3A_283 = arith.mulf %mul3A_277, %mul3A_282 : vector<16xf32>
        %add3A_284 = arith.constant 0.142857149 : f32
        %add3A_285 = vector.broadcast %add3A_284 : f32 to vector<16xf32>
        %add3A_286 = arith.addf %add3A_285, %mul3A_283 : vector<16xf32>
        %mul3A_287 = arith.mulf %mul3A_277, %add3A_286 : vector<16xf32>
        %add3A_288 = arith.constant 2.000000e-01 : f32
        %add3A_289 = vector.broadcast %add3A_288 : f32 to vector<16xf32>
        %add3A_290 = arith.addf %add3A_289, %mul3A_287 : vector<16xf32>
        %mul3A_291 = arith.mulf %mul3A_277, %add3A_290 : vector<16xf32>
        %add3A_292 = arith.constant 0.333333343 : f32
        %add3A_293 = vector.broadcast %add3A_292 : f32 to vector<16xf32>
        %add3A_294 = arith.addf %add3A_293, %mul3A_291 : vector<16xf32>
        %mul3A_295 = arith.mulf %mul3A_277, %add3A_294 : vector<16xf32>
        %add3A_296 = arith.constant 1.000000e+00 : f32
        %add3A_297 = vector.broadcast %add3A_296 : f32 to vector<16xf32>
        %add3A_298 = arith.addf %add3A_297, %mul3A_295 : vector<16xf32>
        %mul3A_299 = arith.mulf %mul3A_280, %add3A_298 : vector<16xf32>
        %convert_element_type3A = arith.sitofp %add3A_269 : vector<16xi32> to vector<16xf32>
        %mul3A_300 = arith.constant 0.693147182 : f32
        %mul3A_301 = vector.broadcast %mul3A_300 : f32 to vector<16xf32>
        %mul3A_302 = arith.mulf %convert_element_type3A, %mul3A_301 : vector<16xf32>
        %add3A_303 = arith.addf %mul3A_299, %mul3A_302 : vector<16xf32>
        %mul3A_304 = arith.constant 16 : i32
        %mul3A_305 = arith.muli %add3A_235, %mul3A_304 : i32
        %swap3A = arith.constant 2 : i32
        %swap3A_306 = arith.index_cast %swap3A : i32 to index
        %swap3A_307 = arith.index_cast %mul3A_305 : i32 to index
        %swap3A_308 = tpu.vector_load %arg8[%swap3A_306, %swap3A_307] {strides = array<i32>} : memref<4x128xf32, #tpu.memory_space<vmem>>, vector<16xf32>,
        tpu.vector_store %arg8[%swap3A_306, %swap3A_307], %add3A_303 {strides = array<i32>} : memref<4x128xf32, #tpu.memory_space<vmem>>, vector<16xf32>,
      }
      %scan3A_145 = arith.constant 8 : i32
      %scan3A_146 = arith.constant 0 : i32
      %scan3A_147 = arith.constant 8 : i32
      %scan3A_148 = arith.addi %scan3A_146, %scan3A_147 : i32
      %scan3A_149 = arith.constant 1 : i32
      scf.for %scan3A_231 = %scan3A_146 to %scan3A_148 step %scan3A_149  : i32 {
        %mul3A_232 = arith.constant 1 : i32
        %mul3A_233 = arith.muli %scan3A_231, %mul3A_232 : i32
        %add3A_234 = arith.constant 0 : i32
        %add3A_235 = arith.addi %add3A_234, %mul3A_233 : i32
        %mul3A_236 = arith.constant 16 : i32
        %mul3A_237 = arith.muli %add3A_235, %mul3A_236 : i32
        %get3A = arith.constant 3 : i32
        %get3A_238 = arith.index_cast %get3A : i32 to index
        %get3A_239 = arith.index_cast %mul3A_237 : i32 to index
        %get3A_240 = tpu.vector_load %arg8[%get3A_238, %get3A_239] {strides = array<i32>} : memref<4x128xf32, #tpu.memory_space<vmem>>, vector<16xf32>,
        %exp3A = math.exp %get3A_240 : vector<16xf32>
        %mul3A_241 = arith.constant 16 : i32
        %mul3A_242 = arith.muli %add3A_235, %mul3A_241 : i32
        %add3A_243 = arith.constant 384 : i32
        %add3A_244 = arith.addi %add3A_243, %mul3A_242 : i32
        %get3A_245 = arith.index_cast %add3A_244 : i32 to index
        %get3A_246 = tpu.vector_load %arg9[%get3A_245] {strides = array<i32>} : memref<512xf32, #tpu.memory_space<vmem>>, vector<16xf32>,
        %add3A_247 = arith.addf %exp3A, %get3A_246 : vector<16xf32>
        %bitcast3A = vector.bitcast %add3A_247 : vector<16xf32> to vector<16xi32>
        %shift_right_logical3A = arith.constant 23 : i32
        %shift_right_logical3A_248 = vector.broadcast %shift_right_logical3A : i32 to vector<16xi32>
        %shift_right_logical3A_249 = arith.shrui %bitcast3A, %shift_right_logical3A_248 : vector<16xi32>
        %sub3A_250 = arith.constant 127 : i32
        %sub3A_251 = vector.broadcast %sub3A_250 : i32 to vector<16xi32>
        %sub3A_252 = arith.subi %shift_right_logical3A_249, %sub3A_251 : vector<16xi32>
        %and3A_253 = arith.constant 8388607 : i32
        %and3A_254 = vector.broadcast %and3A_253 : i32 to vector<16xi32>
        %and3A_255 = arith.andi %bitcast3A, %and3A_254 : vector<16xi32>
        %or3A = arith.constant 1065353216 : i32
        %or3A_256 = vector.broadcast %or3A : i32 to vector<16xi32>
        %or3A_257 = arith.ori %and3A_255, %or3A_256 : vector<16xi32>
        %bitcast3A_258 = vector.bitcast %or3A_257 : vector<16xi32> to vector<16xf32>
        %gt3A = arith.constant 1.41421354 : f32
        %gt3A_259 = vector.broadcast %gt3A : f32 to vector<16xf32>
        %gt3A_260 = arith.cmpf ogt, %bitcast3A_258, %gt3A_259 : vector<16xf32>
        %mul3A_261 = arith.constant 5.000000e-01 : f32
        %mul3A_262 = vector.broadcast %mul3A_261 : f32 to vector<16xf32>
        %mul3A_263 = arith.mulf %bitcast3A_258, %mul3A_262 : vector<16xf32>
        %select_n3A_264 = arith.select %gt3A_260, %mul3A_263, %bitcast3A_258 : vector<16xi1>, vector<16xf32>
        %jit3A_265 = arith.constant 1 : i32
        %jit3A_266 = arith.constant 0 : i32
        %broadcast_in_dim3A = vector.broadcast %jit3A_265 : i32 to vector<16xi32>
        %broadcast_in_dim3A_267 = vector.broadcast %jit3A_266 : i32 to vector<16xi32>
        %select_n3A_268 = arith.select %gt3A_260, %broadcast_in_dim3A, %broadcast_in_dim3A_267 : vector<16xi1>, vector<16xi32>
        %add3A_269 = arith.addi %sub3A_252, %select_n3A_268 : vector<16xi32>
        %sub3A_270 = arith.constant 1.000000e+00 : f32
        %sub3A_271 = vector.broadcast %sub3A_270 : f32 to vector<16xf32>
        %sub3A_272 = arith.subf %select_n3A_264, %sub3A_271 : vector<16xf32>
        %add3A_273 = arith.constant 1.000000e+00 : f32
        %add3A_274 = vector.broadcast %add3A_273 : f32 to vector<16xf32>
        %add3A_275 = arith.addf %select_n3A_264, %add3A_274 : vector<16xf32>
        %div3A_276 = arith.divf %sub3A_272, %add3A_275 : vector<16xf32>
        %mul3A_277 = arith.mulf %div3A_276, %div3A_276 : vector<16xf32>
        %mul3A_278 = arith.constant 2.000000e+00 : f32
        %mul3A_279 = vector.broadcast %mul3A_278 : f32 to vector<16xf32>
        %mul3A_280 = arith.mulf %mul3A_279, %div3A_276 : vector<16xf32>
        %mul3A_281 = arith.constant 0.111111112 : f32
        %mul3A_282 = vector.broadcast %mul3A_281 : f32 to vector<16xf32>
        %mul3A_283 = arith.mulf %mul3A_277, %mul3A_282 : vector<16xf32>
        %add3A_284 = arith.constant 0.142857149 : f32
        %add3A_285 = vector.broadcast %add3A_284 : f32 to vector<16xf32>
        %add3A_286 = arith.addf %add3A_285, %mul3A_283 : vector<16xf32>
        %mul3A_287 = arith.mulf %mul3A_277, %add3A_286 : vector<16xf32>
        %add3A_288 = arith.constant 2.000000e-01 : f32
        %add3A_289 = vector.broadcast %add3A_288 : f32 to vector<16xf32>
        %add3A_290 = arith.addf %add3A_289, %mul3A_287 : vector<16xf32>
        %mul3A_291 = arith.mulf %mul3A_277, %add3A_290 : vector<16xf32>
        %add3A_292 = arith.constant 0.333333343 : f32
        %add3A_293 = vector.broadcast %add3A_292 : f32 to vector<16xf32>
        %add3A_294 = arith.addf %add3A_293, %mul3A_291 : vector<16xf32>
        %mul3A_295 = arith.mulf %mul3A_277, %add3A_294 : vector<16xf32>
        %add3A_296 = arith.constant 1.000000e+00 : f32
        %add3A_297 = vector.broadcast %add3A_296 : f32 to vector<16xf32>
        %add3A_298 = arith.addf %add3A_297, %mul3A_295 : vector<16xf32>
        %mul3A_299 = arith.mulf %mul3A_280, %add3A_298 : vector<16xf32>
        %convert_element_type3A = arith.sitofp %add3A_269 : vector<16xi32> to vector<16xf32>
        %mul3A_300 = arith.constant 0.693147182 : f32
        %mul3A_301 = vector.broadcast %mul3A_300 : f32 to vector<16xf32>
        %mul3A_302 = arith.mulf %convert_element_type3A, %mul3A_301 : vector<16xf32>
        %add3A_303 = arith.addf %mul3A_299, %mul3A_302 : vector<16xf32>
        %mul3A_304 = arith.constant 16 : i32
        %mul3A_305 = arith.muli %add3A_235, %mul3A_304 : i32
        %swap3A = arith.constant 3 : i32
        %swap3A_306 = arith.index_cast %swap3A : i32 to index
        %swap3A_307 = arith.index_cast %mul3A_305 : i32 to index
        %swap3A_308 = tpu.vector_load %arg8[%swap3A_306, %swap3A_307] {strides = array<i32>} : memref<4x128xf32, #tpu.memory_space<vmem>>, vector<16xf32>,
        tpu.vector_store %arg8[%swap3A_306, %swap3A_307], %add3A_303 {strides = array<i32>} : memref<4x128xf32, #tpu.memory_space<vmem>>, vector<16xf32>,
      }
      %scan3A_150 = arith.constant 8 : i32
      %dma_start3A_151 = arith.constant 0 : i32
      %dma_start3A_152 = arith.constant 0 : i32
      %dma_start3A_153 = arith.constant 0 : i32
      %dma_start3A_154 = tpu.memref_slice %arg8[%dma_start3A_151, %dma_start3A_153] : memref<4x128xf32, #tpu.memory_space<vmem>> -> memref<1x128xf32, #tpu.memory_space<vmem>>
      %dma_start3A_155 = tpu.memref_squeeze %dma_start3A_154 : memref<1x128xf32, #tpu.memory_space<vmem>> -> memref<128xf32, #tpu.memory_space<vmem>>
      %dma_start3A_156 = arith.constant 0 : i32
      %dma_start3A_157 = tpu.memref_slice %arg7[%dma_start3A_152, %dma_start3A_156] : memref<4x128xi32, #tpu.memory_space<vmem>> -> memref<1x128xi32, #tpu.memory_space<vmem>>
      %dma_start3A_158 = tpu.memref_squeeze %dma_start3A_157 : memref<1x128xi32, #tpu.memory_space<vmem>> -> memref<128xi32, #tpu.memory_space<vmem>>
      %dma_start3A_159 = arith.constant 0 : i32
      %dma_start3A_160 = tpu.memref_slice %arg2[%dma_start3A_159] : memref<25624576xf32, #tpu.memory_space<hbm>> -> memref<25624576xf32, #tpu.memory_space<hbm>>
      tpu.enqueue_indirect_dma source(%dma_start3A_155 : memref<128xf32, #tpu.memory_space<vmem>>) target(%dma_start3A_160 : memref<25624576xf32, #tpu.memory_space<hbm>>) offsets(%dma_start3A_158 : memref<128xi32, #tpu.memory_space<vmem>>) semaphore(%arg10 : memref<!tpu.dma_semaphore, #tpu.memory_space<semaphore_mem>>)
      %dma_start3A_161 = arith.constant 1 : i32
      %dma_start3A_162 = arith.constant 1 : i32
      %dma_start3A_163 = arith.constant 0 : i32
      %dma_start3A_164 = tpu.memref_slice %arg8[%dma_start3A_161, %dma_start3A_163] : memref<4x128xf32, #tpu.memory_space<vmem>> -> memref<1x128xf32, #tpu.memory_space<vmem>>
      %dma_start3A_165 = tpu.memref_squeeze %dma_start3A_164 : memref<1x128xf32, #tpu.memory_space<vmem>> -> memref<128xf32, #tpu.memory_space<vmem>>
      %dma_start3A_166 = arith.constant 0 : i32
      %dma_start3A_167 = tpu.memref_slice %arg7[%dma_start3A_162, %dma_start3A_166] : memref<4x128xi32, #tpu.memory_space<vmem>> -> memref<1x128xi32, #tpu.memory_space<vmem>>
      %dma_start3A_168 = tpu.memref_squeeze %dma_start3A_167 : memref<1x128xi32, #tpu.memory_space<vmem>> -> memref<128xi32, #tpu.memory_space<vmem>>
      %dma_start3A_169 = arith.constant 0 : i32
      %dma_start3A_170 = tpu.memref_slice %arg2[%dma_start3A_169] : memref<25624576xf32, #tpu.memory_space<hbm>> -> memref<25624576xf32, #tpu.memory_space<hbm>>
      tpu.enqueue_indirect_dma source(%dma_start3A_165 : memref<128xf32, #tpu.memory_space<vmem>>) target(%dma_start3A_170 : memref<25624576xf32, #tpu.memory_space<hbm>>) offsets(%dma_start3A_168 : memref<128xi32, #tpu.memory_space<vmem>>) semaphore(%arg10 : memref<!tpu.dma_semaphore, #tpu.memory_space<semaphore_mem>>)
      %dma_start3A_171 = arith.constant 2 : i32
      %dma_start3A_172 = arith.constant 2 : i32
      %dma_start3A_173 = arith.constant 0 : i32
      %dma_start3A_174 = tpu.memref_slice %arg8[%dma_start3A_171, %dma_start3A_173] : memref<4x128xf32, #tpu.memory_space<vmem>> -> memref<1x128xf32, #tpu.memory_space<vmem>>
      %dma_start3A_175 = tpu.memref_squeeze %dma_start3A_174 : memref<1x128xf32, #tpu.memory_space<vmem>> -> memref<128xf32, #tpu.memory_space<vmem>>
      %dma_start3A_176 = arith.constant 0 : i32
      %dma_start3A_177 = tpu.memref_slice %arg7[%dma_start3A_172, %dma_start3A_176] : memref<4x128xi32, #tpu.memory_space<vmem>> -> memref<1x128xi32, #tpu.memory_space<vmem>>
      %dma_start3A_178 = tpu.memref_squeeze %dma_start3A_177 : memref<1x128xi32, #tpu.memory_space<vmem>> -> memref<128xi32, #tpu.memory_space<vmem>>
      %dma_start3A_179 = arith.constant 0 : i32
      %dma_start3A_180 = tpu.memref_slice %arg2[%dma_start3A_179] : memref<25624576xf32, #tpu.memory_space<hbm>> -> memref<25624576xf32, #tpu.memory_space<hbm>>
      tpu.enqueue_indirect_dma source(%dma_start3A_175 : memref<128xf32, #tpu.memory_space<vmem>>) target(%dma_start3A_180 : memref<25624576xf32, #tpu.memory_space<hbm>>) offsets(%dma_start3A_178 : memref<128xi32, #tpu.memory_space<vmem>>) semaphore(%arg10 : memref<!tpu.dma_semaphore, #tpu.memory_space<semaphore_mem>>)
      %dma_start3A_181 = arith.constant 3 : i32
      %dma_start3A_182 = arith.constant 3 : i32
      %dma_start3A_183 = arith.constant 0 : i32
      %dma_start3A_184 = tpu.memref_slice %arg8[%dma_start3A_181, %dma_start3A_183] : memref<4x128xf32, #tpu.memory_space<vmem>> -> memref<1x128xf32, #tpu.memory_space<vmem>>
      %dma_start3A_185 = tpu.memref_squeeze %dma_start3A_184 : memref<1x128xf32, #tpu.memory_space<vmem>> -> memref<128xf32, #tpu.memory_space<vmem>>
      %dma_start3A_186 = arith.constant 0 : i32
      %dma_start3A_187 = tpu.memref_slice %arg7[%dma_start3A_182, %dma_start3A_186] : memref<4x128xi32, #tpu.memory_space<vmem>> -> memref<1x128xi32, #tpu.memory_space<vmem>>
      %dma_start3A_188 = tpu.memref_squeeze %dma_start3A_187 : memref<1x128xi32, #tpu.memory_space<vmem>> -> memref<128xi32, #tpu.memory_space<vmem>>
      %dma_start3A_189 = arith.constant 0 : i32
      %dma_start3A_190 = tpu.memref_slice %arg2[%dma_start3A_189] : memref<25624576xf32, #tpu.memory_space<hbm>> -> memref<25624576xf32, #tpu.memory_space<hbm>>
      tpu.enqueue_indirect_dma source(%dma_start3A_185 : memref<128xf32, #tpu.memory_space<vmem>>) target(%dma_start3A_190 : memref<25624576xf32, #tpu.memory_space<hbm>>) offsets(%dma_start3A_188 : memref<128xi32, #tpu.memory_space<vmem>>) semaphore(%arg10 : memref<!tpu.dma_semaphore, #tpu.memory_space<semaphore_mem>>)
      %dma_wait3A_191 = arith.constant 0 : i32
      %dma_wait3A_192 = arith.constant 0 : i32
      %dma_wait3A_193 = arith.constant 0 : i32
      %dma_wait3A_194 = tpu.memref_slice %arg8[%dma_wait3A_191, %dma_wait3A_193] : memref<4x128xf32, #tpu.memory_space<vmem>> -> memref<1x128xf32, #tpu.memory_space<vmem>>
      %dma_wait3A_195 = tpu.memref_squeeze %dma_wait3A_194 : memref<1x128xf32, #tpu.memory_space<vmem>> -> memref<128xf32, #tpu.memory_space<vmem>>
      %dma_wait3A_196 = arith.constant 0 : i32
      %dma_wait3A_197 = tpu.memref_slice %arg7[%dma_wait3A_192, %dma_wait3A_196] : memref<4x128xi32, #tpu.memory_space<vmem>> -> memref<1x128xi32, #tpu.memory_space<vmem>>
      %dma_wait3A_198 = tpu.memref_squeeze %dma_wait3A_197 : memref<1x128xi32, #tpu.memory_space<vmem>> -> memref<128xi32, #tpu.memory_space<vmem>>
      %dma_wait3A_199 = arith.constant 0 : i32
      %dma_wait3A_200 = tpu.memref_slice %arg2[%dma_wait3A_199] : memref<25624576xf32, #tpu.memory_space<hbm>> -> memref<25624576xf32, #tpu.memory_space<hbm>>
      tpu.wait_indirect_dma semaphore(%arg10 : memref<!tpu.dma_semaphore, #tpu.memory_space<semaphore_mem>>) src(%dma_wait3A_195 : memref<128xf32, #tpu.memory_space<vmem>>) dst(%dma_wait3A_200 : memref<25624576xf32, #tpu.memory_space<hbm>>)
      %dma_wait3A_201 = arith.constant 1 : i32
      %dma_wait3A_202 = arith.constant 1 : i32
      %dma_wait3A_203 = arith.constant 0 : i32
      %dma_wait3A_204 = tpu.memref_slice %arg8[%dma_wait3A_201, %dma_wait3A_203] : memref<4x128xf32, #tpu.memory_space<vmem>> -> memref<1x128xf32, #tpu.memory_space<vmem>>
      %dma_wait3A_205 = tpu.memref_squeeze %dma_wait3A_204 : memref<1x128xf32, #tpu.memory_space<vmem>> -> memref<128xf32, #tpu.memory_space<vmem>>
      %dma_wait3A_206 = arith.constant 0 : i32
      %dma_wait3A_207 = tpu.memref_slice %arg7[%dma_wait3A_202, %dma_wait3A_206] : memref<4x128xi32, #tpu.memory_space<vmem>> -> memref<1x128xi32, #tpu.memory_space<vmem>>
      %dma_wait3A_208 = tpu.memref_squeeze %dma_wait3A_207 : memref<1x128xi32, #tpu.memory_space<vmem>> -> memref<128xi32, #tpu.memory_space<vmem>>
      %dma_wait3A_209 = arith.constant 0 : i32
      %dma_wait3A_210 = tpu.memref_slice %arg2[%dma_wait3A_209] : memref<25624576xf32, #tpu.memory_space<hbm>> -> memref<25624576xf32, #tpu.memory_space<hbm>>
      tpu.wait_indirect_dma semaphore(%arg10 : memref<!tpu.dma_semaphore, #tpu.memory_space<semaphore_mem>>) src(%dma_wait3A_205 : memref<128xf32, #tpu.memory_space<vmem>>) dst(%dma_wait3A_210 : memref<25624576xf32, #tpu.memory_space<hbm>>)
      %dma_wait3A_211 = arith.constant 2 : i32
      %dma_wait3A_212 = arith.constant 2 : i32
      %dma_wait3A_213 = arith.constant 0 : i32
      %dma_wait3A_214 = tpu.memref_slice %arg8[%dma_wait3A_211, %dma_wait3A_213] : memref<4x128xf32, #tpu.memory_space<vmem>> -> memref<1x128xf32, #tpu.memory_space<vmem>>
      %dma_wait3A_215 = tpu.memref_squeeze %dma_wait3A_214 : memref<1x128xf32, #tpu.memory_space<vmem>> -> memref<128xf32, #tpu.memory_space<vmem>>
      %dma_wait3A_216 = arith.constant 0 : i32
      %dma_wait3A_217 = tpu.memref_slice %arg7[%dma_wait3A_212, %dma_wait3A_216] : memref<4x128xi32, #tpu.memory_space<vmem>> -> memref<1x128xi32, #tpu.memory_space<vmem>>
      %dma_wait3A_218 = tpu.memref_squeeze %dma_wait3A_217 : memref<1x128xi32, #tpu.memory_space<vmem>> -> memref<128xi32, #tpu.memory_space<vmem>>
      %dma_wait3A_219 = arith.constant 0 : i32
      %dma_wait3A_220 = tpu.memref_slice %arg2[%dma_wait3A_219] : memref<25624576xf32, #tpu.memory_space<hbm>> -> memref<25624576xf32, #tpu.memory_space<hbm>>
      tpu.wait_indirect_dma semaphore(%arg10 : memref<!tpu.dma_semaphore, #tpu.memory_space<semaphore_mem>>) src(%dma_wait3A_215 : memref<128xf32, #tpu.memory_space<vmem>>) dst(%dma_wait3A_220 : memref<25624576xf32, #tpu.memory_space<hbm>>)
      %dma_wait3A_221 = arith.constant 3 : i32
      %dma_wait3A_222 = arith.constant 3 : i32
      %dma_wait3A_223 = arith.constant 0 : i32
      %dma_wait3A_224 = tpu.memref_slice %arg8[%dma_wait3A_221, %dma_wait3A_223] : memref<4x128xf32, #tpu.memory_space<vmem>> -> memref<1x128xf32, #tpu.memory_space<vmem>>
      %dma_wait3A_225 = tpu.memref_squeeze %dma_wait3A_224 : memref<1x128xf32, #tpu.memory_space<vmem>> -> memref<128xf32, #tpu.memory_space<vmem>>
      %dma_wait3A_226 = arith.constant 0 : i32
      %dma_wait3A_227 = tpu.memref_slice %arg7[%dma_wait3A_222, %dma_wait3A_226] : memref<4x128xi32, #tpu.memory_space<vmem>> -> memref<1x128xi32, #tpu.memory_space<vmem>>
      %dma_wait3A_228 = tpu.memref_squeeze %dma_wait3A_227 : memref<1x128xi32, #tpu.memory_space<vmem>> -> memref<128xi32, #tpu.memory_space<vmem>>
      %dma_wait3A_229 = arith.constant 0 : i32
      %dma_wait3A_230 = tpu.memref_slice %arg2[%dma_wait3A_229] : memref<25624576xf32, #tpu.memory_space<hbm>> -> memref<25624576xf32, #tpu.memory_space<hbm>>
      tpu.wait_indirect_dma semaphore(%arg10 : memref<!tpu.dma_semaphore, #tpu.memory_space<semaphore_mem>>) src(%dma_wait3A_225 : memref<128xf32, #tpu.memory_space<vmem>>) dst(%dma_wait3A_230 : memref<25624576xf32, #tpu.memory_space<hbm>>)
    }
    %scan3A_20 = arith.constant 8 : i32
    return
  }
}

module attributes {stable_mosaic.version = 14 : i64} {
  func.func @_tc_body(%arg0: i32, %arg1: i32, %arg2: memref<1x16x512xf32, #tpu.memory_space<vmem>>, %arg3: memref<1x16x100000xf32, #tpu.memory_space<vmem>>, %arg4: memref<1x8x16x512xf32, #tpu.memory_space<vmem>>, %arg5: memref<512x1xf32, #tpu.memory_space<vmem>>, %arg6: memref<1x1xf32, #tpu.memory_space<vmem>>, %arg7: memref<1x1x512xi32, #tpu.memory_space<vmem>>, %arg8: memref<1601536xf32, #tpu.memory_space<vmem>>, %arg9: memref<1x16x512xf32, #tpu.memory_space<vmem>>) attributes {dimension_semantics = [#tpu.dimension_semantics<arbitrary>, #tpu.dimension_semantics<arbitrary>], iteration_bounds = array<i64: 8, 2>, scalar_prefetch = 0 : i64, scratch_operands = 0 : i64, tpu.core_type = #tpu.core_type<tc>, window_params = [{transform_indices = @transform_0, window_bounds = array<i64: 1, 16, 512>}, {transform_indices = @transform_1, window_bounds = array<i64: 1, 16, 100000>}, {transform_indices = @transform_2, window_bounds = array<i64: 1, 8, 16, 512>}, {pipeline_mode = #tpu.pipeline_mode<synchronous>, transform_indices = @transform_3, window_bounds = array<i64: 512, 1>}, {pipeline_mode = #tpu.pipeline_mode<synchronous>, transform_indices = @transform_4, window_bounds = array<i64: 1, 1>}, {transform_indices = @transform_5, window_bounds = array<i64: 1, 1, 512>}, {transform_indices = @transform_6, window_bounds = array<i64: 1601536>}, {transform_indices = @transform_7, window_bounds = array<i64: 1, 16, 512>}]} {
    %get3A = arith.constant 0 : index
    %get3A_0 = arith.constant 0 : index
    %get3A_1 = arith.constant 0 : index
    %get3A_2 = vector.load %arg3[%get3A, %get3A_0, %get3A_1] : memref<1x16x100000xf32, #tpu.memory_space<vmem>>, vector<1x16x100000xf32>
    %get3A_3 = vector.shape_cast %get3A_2 : vector<1x16x100000xf32> to vector<16x100000xf32>
    %get3A_4 = arith.constant 0 : index
    %get3A_5 = arith.constant 0 : index
    %get3A_6 = arith.constant 0 : index
    %get3A_7 = vector.load %arg2[%get3A_4, %get3A_5, %get3A_6] : memref<1x16x512xf32, #tpu.memory_space<vmem>>, vector<1x16x512xf32>
    %get3A_8 = vector.shape_cast %get3A_7 : vector<1x16x512xf32> to vector<16x512xf32>
    %get3A_9 = arith.constant 0 : index
    %get3A_10 = arith.constant 0 : index
    %get3A_11 = arith.constant 0 : index
    %get3A_12 = arith.constant 0 : index
    %get3A_13 = vector.load %arg4[%get3A_9, %get3A_10, %get3A_11, %get3A_12] : memref<1x8x16x512xf32, #tpu.memory_space<vmem>>, vector<1x8x16x512xf32>
    %get3A_14 = vector.shape_cast %get3A_13 : vector<1x8x16x512xf32> to vector<8x16x512xf32>
    %get3A_15 = arith.constant 0 : index
    %get3A_16 = arith.constant 0 : index
    %get3A_17 = vector.load %arg5[%get3A_15, %get3A_16] : memref<512x1xf32, #tpu.memory_space<vmem>>, vector<512x1xf32>
    %get3A_18 = arith.constant 0 : index
    %get3A_19 = arith.constant 0 : index
    %get3A_20 = arith.constant 0 : index
    %get3A_21 = vector.load %arg7[%get3A_18, %get3A_19, %get3A_20] : memref<1x1x512xi32, #tpu.memory_space<vmem>>, vector<1x1x512xi32>
    %get3A_22 = vector.shape_cast %get3A_21 : vector<1x1x512xi32> to vector<512xi32>
    %dot_general3A = arith.constant dense<0.000000e+00> : vector<16x1xf32>
    %dot_general3A_23 = tpu.matmul %get3A_8, %get3A_17, %dot_general3A {dimension_numbers = #tpu.dot_dimension_numbers<[1], [0], [0], [1], [0, 0, 1, 1], [], []>, transpose_lhs_hint = false} : vector<16x512xf32>, vector<512x1xf32>, vector<16x1xf32> -> vector<16x1xf32>
    %get3A_24 = arith.constant 0 : index
    %get3A_25 = arith.constant 0 : index
    %get3A_26 = vector.load %arg6[%get3A_24, %get3A_25] : memref<1x1xf32, #tpu.memory_space<vmem>>, vector<1x1xf32>
    %add3A = vector.broadcast %get3A_26 : vector<1x1xf32> to vector<16x1xf32>
    %add3A_27 = arith.addf %dot_general3A_23, %add3A : vector<16x1xf32>
    %logistic3A = arith.negf %add3A_27 : vector<16x1xf32>
    %logistic3A_28 = math.exp %logistic3A : vector<16x1xf32>
    %logistic3A_29 = arith.constant 1.000000e+00 : f32
    %logistic3A_30 = vector.broadcast %logistic3A_29 : f32 to vector<16x1xf32>
    %logistic3A_31 = arith.addf %logistic3A_30, %logistic3A_28 : vector<16x1xf32>
    %logistic3A_32 = arith.divf %logistic3A_30, %logistic3A_31 : vector<16x1xf32>
    %reduce_max3A = arith.constant dense<0xFF800000> : vector<16xf32>
    %reduce_max3A_33 = vector.multi_reduction <maximumf>, %get3A_3, %reduce_max3A [1] : vector<16x100000xf32> to vector<16xf32>
    %broadcast_in_dim3A = vector.shape_cast %reduce_max3A_33 : vector<16xf32> to vector<16x1xf32>
    %sub3A = vector.broadcast %broadcast_in_dim3A : vector<16x1xf32> to vector<16x100000xf32>
    %sub3A_34 = arith.subf %get3A_3, %sub3A : vector<16x100000xf32>
    %exp3A = math.exp %sub3A_34 : vector<16x100000xf32>
    %reduce_sum3A = arith.constant dense<0.000000e+00> : vector<16xf32>
    %reduce_sum3A_35 = vector.multi_reduction <add>, %exp3A, %reduce_sum3A [1] : vector<16x100000xf32> to vector<16xf32>
    %broadcast_in_dim3A_36 = vector.shape_cast %reduce_sum3A_35 : vector<16xf32> to vector<16x1xf32>
    %div3A = arith.divf %logistic3A_32, %broadcast_in_dim3A_36 : vector<16x1xf32>
    %mul3A = vector.broadcast %div3A : vector<16x1xf32> to vector<16x100000xf32>
    %mul3A_37 = arith.mulf %mul3A, %exp3A : vector<16x100000xf32>
    %add3A_38 = arith.constant 1.000000e-03 : f32
    %add3A_39 = vector.broadcast %add3A_38 : f32 to vector<16x100000xf32>
    %add3A_40 = arith.addf %mul3A_37, %add3A_39 : vector<16x100000xf32>
    %log3A = math.log %add3A_40 : vector<16x100000xf32>
    %slice3A = vector.extract_strided_slice %log3A {offsets = [0, 0], sizes = [1, 100000], strides = [1, 1]} : vector<16x100000xf32> to vector<1x100000xf32>
    %squeeze3A = vector.shape_cast %slice3A : vector<1x100000xf32> to vector<100000xf32>
    %swap3A = arith.constant 0 : index
    %swap3A_41 = vector.load %arg8[%swap3A] : memref<1601536xf32, #tpu.memory_space<vmem>>, vector<100000xf32>
    tpu.vector_store %arg8[%swap3A], %squeeze3A {strides = array<i32>} : memref<1601536xf32, #tpu.memory_space<vmem>>, vector<100000xf32>,
    %slice3A_42 = vector.extract_strided_slice %log3A {offsets = [1, 0], sizes = [1, 100000], strides = [1, 1]} : vector<16x100000xf32> to vector<1x100000xf32>
    %squeeze3A_43 = vector.shape_cast %slice3A_42 : vector<1x100000xf32> to vector<100000xf32>
    %swap3A_44 = arith.constant 100096 : index
    %swap3A_45 = vector.load %arg8[%swap3A_44] : memref<1601536xf32, #tpu.memory_space<vmem>>, vector<100000xf32>
    tpu.vector_store %arg8[%swap3A_44], %squeeze3A_43 {strides = array<i32>} : memref<1601536xf32, #tpu.memory_space<vmem>>, vector<100000xf32>,
    %slice3A_46 = vector.extract_strided_slice %log3A {offsets = [2, 0], sizes = [1, 100000], strides = [1, 1]} : vector<16x100000xf32> to vector<1x100000xf32>
    %squeeze3A_47 = vector.shape_cast %slice3A_46 : vector<1x100000xf32> to vector<100000xf32>
    %swap3A_48 = arith.constant 200192 : index
    %swap3A_49 = vector.load %arg8[%swap3A_48] : memref<1601536xf32, #tpu.memory_space<vmem>>, vector<100000xf32>
    tpu.vector_store %arg8[%swap3A_48], %squeeze3A_47 {strides = array<i32>} : memref<1601536xf32, #tpu.memory_space<vmem>>, vector<100000xf32>,
    %slice3A_50 = vector.extract_strided_slice %log3A {offsets = [3, 0], sizes = [1, 100000], strides = [1, 1]} : vector<16x100000xf32> to vector<1x100000xf32>
    %squeeze3A_51 = vector.shape_cast %slice3A_50 : vector<1x100000xf32> to vector<100000xf32>
    %swap3A_52 = arith.constant 300288 : index
    %swap3A_53 = vector.load %arg8[%swap3A_52] : memref<1601536xf32, #tpu.memory_space<vmem>>, vector<100000xf32>
    tpu.vector_store %arg8[%swap3A_52], %squeeze3A_51 {strides = array<i32>} : memref<1601536xf32, #tpu.memory_space<vmem>>, vector<100000xf32>,
    %slice3A_54 = vector.extract_strided_slice %log3A {offsets = [4, 0], sizes = [1, 100000], strides = [1, 1]} : vector<16x100000xf32> to vector<1x100000xf32>
    %squeeze3A_55 = vector.shape_cast %slice3A_54 : vector<1x100000xf32> to vector<100000xf32>
    %swap3A_56 = arith.constant 400384 : index
    %swap3A_57 = vector.load %arg8[%swap3A_56] : memref<1601536xf32, #tpu.memory_space<vmem>>, vector<100000xf32>
    tpu.vector_store %arg8[%swap3A_56], %squeeze3A_55 {strides = array<i32>} : memref<1601536xf32, #tpu.memory_space<vmem>>, vector<100000xf32>,
    %slice3A_58 = vector.extract_strided_slice %log3A {offsets = [5, 0], sizes = [1, 100000], strides = [1, 1]} : vector<16x100000xf32> to vector<1x100000xf32>
    %squeeze3A_59 = vector.shape_cast %slice3A_58 : vector<1x100000xf32> to vector<100000xf32>
    %swap3A_60 = arith.constant 500480 : index
    %swap3A_61 = vector.load %arg8[%swap3A_60] : memref<1601536xf32, #tpu.memory_space<vmem>>, vector<100000xf32>
    tpu.vector_store %arg8[%swap3A_60], %squeeze3A_59 {strides = array<i32>} : memref<1601536xf32, #tpu.memory_space<vmem>>, vector<100000xf32>,
    %slice3A_62 = vector.extract_strided_slice %log3A {offsets = [6, 0], sizes = [1, 100000], strides = [1, 1]} : vector<16x100000xf32> to vector<1x100000xf32>
    %squeeze3A_63 = vector.shape_cast %slice3A_62 : vector<1x100000xf32> to vector<100000xf32>
    %swap3A_64 = arith.constant 600576 : index
    %swap3A_65 = vector.load %arg8[%swap3A_64] : memref<1601536xf32, #tpu.memory_space<vmem>>, vector<100000xf32>
    tpu.vector_store %arg8[%swap3A_64], %squeeze3A_63 {strides = array<i32>} : memref<1601536xf32, #tpu.memory_space<vmem>>, vector<100000xf32>,
    %slice3A_66 = vector.extract_strided_slice %log3A {offsets = [7, 0], sizes = [1, 100000], strides = [1, 1]} : vector<16x100000xf32> to vector<1x100000xf32>
    %squeeze3A_67 = vector.shape_cast %slice3A_66 : vector<1x100000xf32> to vector<100000xf32>
    %swap3A_68 = arith.constant 700672 : index
    %swap3A_69 = vector.load %arg8[%swap3A_68] : memref<1601536xf32, #tpu.memory_space<vmem>>, vector<100000xf32>
    tpu.vector_store %arg8[%swap3A_68], %squeeze3A_67 {strides = array<i32>} : memref<1601536xf32, #tpu.memory_space<vmem>>, vector<100000xf32>,
    %slice3A_70 = vector.extract_strided_slice %log3A {offsets = [8, 0], sizes = [1, 100000], strides = [1, 1]} : vector<16x100000xf32> to vector<1x100000xf32>
    %squeeze3A_71 = vector.shape_cast %slice3A_70 : vector<1x100000xf32> to vector<100000xf32>
    %swap3A_72 = arith.constant 800768 : index
    %swap3A_73 = vector.load %arg8[%swap3A_72] : memref<1601536xf32, #tpu.memory_space<vmem>>, vector<100000xf32>
    tpu.vector_store %arg8[%swap3A_72], %squeeze3A_71 {strides = array<i32>} : memref<1601536xf32, #tpu.memory_space<vmem>>, vector<100000xf32>,
    %slice3A_74 = vector.extract_strided_slice %log3A {offsets = [9, 0], sizes = [1, 100000], strides = [1, 1]} : vector<16x100000xf32> to vector<1x100000xf32>
    %squeeze3A_75 = vector.shape_cast %slice3A_74 : vector<1x100000xf32> to vector<100000xf32>
    %swap3A_76 = arith.constant 900864 : index
    %swap3A_77 = vector.load %arg8[%swap3A_76] : memref<1601536xf32, #tpu.memory_space<vmem>>, vector<100000xf32>
    tpu.vector_store %arg8[%swap3A_76], %squeeze3A_75 {strides = array<i32>} : memref<1601536xf32, #tpu.memory_space<vmem>>, vector<100000xf32>,
    %slice3A_78 = vector.extract_strided_slice %log3A {offsets = [10, 0], sizes = [1, 100000], strides = [1, 1]} : vector<16x100000xf32> to vector<1x100000xf32>
    %squeeze3A_79 = vector.shape_cast %slice3A_78 : vector<1x100000xf32> to vector<100000xf32>
    %swap3A_80 = arith.constant 1000960 : index
    %swap3A_81 = vector.load %arg8[%swap3A_80] : memref<1601536xf32, #tpu.memory_space<vmem>>, vector<100000xf32>
    tpu.vector_store %arg8[%swap3A_80], %squeeze3A_79 {strides = array<i32>} : memref<1601536xf32, #tpu.memory_space<vmem>>, vector<100000xf32>,
    %slice3A_82 = vector.extract_strided_slice %log3A {offsets = [11, 0], sizes = [1, 100000], strides = [1, 1]} : vector<16x100000xf32> to vector<1x100000xf32>
    %squeeze3A_83 = vector.shape_cast %slice3A_82 : vector<1x100000xf32> to vector<100000xf32>
    %swap3A_84 = arith.constant 1101056 : index
    %swap3A_85 = vector.load %arg8[%swap3A_84] : memref<1601536xf32, #tpu.memory_space<vmem>>, vector<100000xf32>
    tpu.vector_store %arg8[%swap3A_84], %squeeze3A_83 {strides = array<i32>} : memref<1601536xf32, #tpu.memory_space<vmem>>, vector<100000xf32>,
    %slice3A_86 = vector.extract_strided_slice %log3A {offsets = [12, 0], sizes = [1, 100000], strides = [1, 1]} : vector<16x100000xf32> to vector<1x100000xf32>
    %squeeze3A_87 = vector.shape_cast %slice3A_86 : vector<1x100000xf32> to vector<100000xf32>
    %swap3A_88 = arith.constant 1201152 : index
    %swap3A_89 = vector.load %arg8[%swap3A_88] : memref<1601536xf32, #tpu.memory_space<vmem>>, vector<100000xf32>
    tpu.vector_store %arg8[%swap3A_88], %squeeze3A_87 {strides = array<i32>} : memref<1601536xf32, #tpu.memory_space<vmem>>, vector<100000xf32>,
    %slice3A_90 = vector.extract_strided_slice %log3A {offsets = [13, 0], sizes = [1, 100000], strides = [1, 1]} : vector<16x100000xf32> to vector<1x100000xf32>
    %squeeze3A_91 = vector.shape_cast %slice3A_90 : vector<1x100000xf32> to vector<100000xf32>
    %swap3A_92 = arith.constant 1301248 : index
    %swap3A_93 = vector.load %arg8[%swap3A_92] : memref<1601536xf32, #tpu.memory_space<vmem>>, vector<100000xf32>
    tpu.vector_store %arg8[%swap3A_92], %squeeze3A_91 {strides = array<i32>} : memref<1601536xf32, #tpu.memory_space<vmem>>, vector<100000xf32>,
    %slice3A_94 = vector.extract_strided_slice %log3A {offsets = [14, 0], sizes = [1, 100000], strides = [1, 1]} : vector<16x100000xf32> to vector<1x100000xf32>
    %squeeze3A_95 = vector.shape_cast %slice3A_94 : vector<1x100000xf32> to vector<100000xf32>
    %swap3A_96 = arith.constant 1401344 : index
    %swap3A_97 = vector.load %arg8[%swap3A_96] : memref<1601536xf32, #tpu.memory_space<vmem>>, vector<100000xf32>
    tpu.vector_store %arg8[%swap3A_96], %squeeze3A_95 {strides = array<i32>} : memref<1601536xf32, #tpu.memory_space<vmem>>, vector<100000xf32>,
    %slice3A_98 = vector.extract_strided_slice %log3A {offsets = [15, 0], sizes = [1, 100000], strides = [1, 1]} : vector<16x100000xf32> to vector<1x100000xf32>
    %squeeze3A_99 = vector.shape_cast %slice3A_98 : vector<1x100000xf32> to vector<100000xf32>
    %swap3A_100 = arith.constant 1501440 : index
    %swap3A_101 = vector.load %arg8[%swap3A_100] : memref<1601536xf32, #tpu.memory_space<vmem>>, vector<100000xf32>
    tpu.vector_store %arg8[%swap3A_100], %squeeze3A_99 {strides = array<i32>} : memref<1601536xf32, #tpu.memory_space<vmem>>, vector<100000xf32>,
    %reduce_sum3A_102 = arith.constant dense<0.000000e+00> : vector<16x512xf32>
    %reduce_sum3A_103 = vector.multi_reduction <add>, %get3A_14, %reduce_sum3A_102 [0] : vector<8x16x512xf32> to vector<16x512xf32>
    %div3A_104 = arith.constant 8.000000e+00 : f32
    %div3A_105 = vector.broadcast %div3A_104 : f32 to vector<16x512xf32>
    %div3A_106 = arith.divf %reduce_sum3A_103, %div3A_105 : vector<16x512xf32>
    %reduce_max3A_107 = arith.constant dense<0xFF800000> : vector<16xf32>
    %reduce_max3A_108 = vector.multi_reduction <maximumf>, %div3A_106, %reduce_max3A_107 [1] : vector<16x512xf32> to vector<16xf32>
    %broadcast_in_dim3A_109 = vector.shape_cast %reduce_max3A_108 : vector<16xf32> to vector<16x1xf32>
    %sub3A_110 = vector.broadcast %broadcast_in_dim3A_109 : vector<16x1xf32> to vector<16x512xf32>
    %sub3A_111 = arith.subf %div3A_106, %sub3A_110 : vector<16x512xf32>
    %exp3A_112 = math.exp %sub3A_111 : vector<16x512xf32>
    %reduce_sum3A_113 = arith.constant dense<0.000000e+00> : vector<16xf32>
    %reduce_sum3A_114 = vector.multi_reduction <add>, %exp3A_112, %reduce_sum3A_113 [1] : vector<16x512xf32> to vector<16xf32>
    %broadcast_in_dim3A_115 = vector.shape_cast %reduce_sum3A_114 : vector<16xf32> to vector<16x1xf32>
    %div3A_116 = vector.broadcast %broadcast_in_dim3A_115 : vector<16x1xf32> to vector<16x512xf32>
    %div3A_117 = arith.divf %exp3A_112, %div3A_116 : vector<16x512xf32>
    %sub3A_118 = arith.constant 1.000000e+00 : f32
    %sub3A_119 = vector.broadcast %sub3A_118 : f32 to vector<16x1xf32>
    %sub3A_120 = arith.subf %sub3A_119, %logistic3A_32 : vector<16x1xf32>
    %mul3A_121 = vector.broadcast %sub3A_120 : vector<16x1xf32> to vector<16x512xf32>
    %mul3A_122 = arith.mulf %mul3A_121, %div3A_117 : vector<16x512xf32>
    %broadcast_in_dim3A_123 = vector.shape_cast %get3A_22 : vector<512xi32> to vector<512x1xi32>
    %broadcast_in_dim3A_124 = vector.shape_cast %get3A_22 : vector<512xi32> to vector<1x512xi32>
    %eq3A = vector.broadcast %broadcast_in_dim3A_123 : vector<512x1xi32> to vector<512x512xi32>
    %eq3A_125 = vector.broadcast %broadcast_in_dim3A_124 : vector<1x512xi32> to vector<512x512xi32>
    %eq3A_126 = arith.cmpi eq, %eq3A, %eq3A_125 : vector<512x512xi32>
    %convert_element_type3A = arith.extui %eq3A_126 : vector<512x512xi1> to vector<512x512xi32>
    %convert_element_type3A_127 = arith.sitofp %convert_element_type3A : vector<512x512xi32> to vector<512x512xf32>
    %dot_general3A_128 = arith.constant dense<0.000000e+00> : vector<16x512xf32>
    %dot_general3A_129 = tpu.matmul %mul3A_122, %convert_element_type3A_127, %dot_general3A_128 {dimension_numbers = #tpu.dot_dimension_numbers<[1], [0], [0], [1], [0, 0, 1, 1], [], []>, transpose_lhs_hint = false} : vector<16x512xf32>, vector<512x512xf32>, vector<16x512xf32> -> vector<16x512xf32>
    %swap3A_130 = arith.constant 0 : index
    %swap3A_131 = arith.constant 0 : index
    %swap3A_132 = arith.constant 0 : index
    %swap3A_133 = vector.load %arg9[%swap3A_130, %swap3A_131, %swap3A_132] : memref<1x16x512xf32, #tpu.memory_space<vmem>>, vector<1x16x512xf32>
    %swap3A_134 = vector.shape_cast %swap3A_133 : vector<1x16x512xf32> to vector<16x512xf32>
    %swap3A_135 = vector.shape_cast %dot_general3A_129 : vector<16x512xf32> to vector<1x16x512xf32>
    tpu.vector_store %arg9[%swap3A_130, %swap3A_131, %swap3A_132], %swap3A_135 {strides = array<i32>} : memref<1x16x512xf32, #tpu.memory_space<vmem>>, vector<1x16x512xf32>,
    return
  }
  func.func @transform_0(%arg0: i32, %arg1: i32) -> (i32, i32, i32) {
    %c0_i32 = arith.constant 0 : i32
    %c0_i32_0 = arith.constant 0 : i32
    return %arg0, %arg1, %c0_i32 : i32, i32, i32
  }
  func.func @transform_1(%arg0: i32, %arg1: i32) -> (i32, i32, i32) {
    %c0_i32 = arith.constant 0 : i32
    %c0_i32_0 = arith.constant 0 : i32
    return %arg0, %arg1, %c0_i32 : i32, i32, i32
  }
  func.func @transform_2(%arg0: i32, %arg1: i32) -> (i32, i32, i32, i32) {
    %c0_i32 = arith.constant 0 : i32
    %c0_i32_0 = arith.constant 0 : i32
    %c0_i32_1 = arith.constant 0 : i32
    return %arg0, %c0_i32, %arg1, %c0_i32_0 : i32, i32, i32, i32
  }
  func.func @transform_3(%arg0: i32, %arg1: i32) -> (i32, i32) {
    %c0_i32 = arith.constant 0 : i32
    %c0_i32_0 = arith.constant 0 : i32
    %c0_i32_1 = arith.constant 0 : i32
    return %c0_i32, %c0_i32_0 : i32, i32
  }
  func.func @transform_4(%arg0: i32, %arg1: i32) -> (i32, i32) {
    %c0_i32 = arith.constant 0 : i32
    %c0_i32_0 = arith.constant 0 : i32
    %c0_i32_1 = arith.constant 0 : i32
    return %c0_i32, %c0_i32_0 : i32, i32
  }
  func.func @transform_5(%arg0: i32, %arg1: i32) -> (i32, i32, i32) {
    %c0_i32 = arith.constant 0 : i32
    %c0_i32_0 = arith.constant 0 : i32
    %c0_i32_1 = arith.constant 0 : i32
    return %arg0, %c0_i32, %c0_i32_0 : i32, i32, i32
  }
  func.func @transform_6(%arg0: i32, %arg1: i32) -> i32 {
    %mul3A = arith.constant 2 : i32
    %mul3A_0 = arith.muli %arg0, %mul3A : i32
    %add3A = arith.addi %mul3A_0, %arg1 : i32
    %c0_i32 = arith.constant 0 : i32
    return %add3A : i32
  }
  func.func @transform_7(%arg0: i32, %arg1: i32) -> (i32, i32, i32) {
    %c0_i32 = arith.constant 0 : i32
    %c0_i32_0 = arith.constant 0 : i32
    return %arg0, %arg1, %c0_i32 : i32, i32, i32
  }
}

</mosaic_0001>

<sc_bundles>
// kernel: kernel.4.cloned.1.call-start
scs
__scs_entry_jumppad:
0x0: {  	(pc) =	sbr.rel $0x88, $3  }
0x1: {  	(tag) =	ssettag $0x0;
	lr =	simm.s32 $0x1  }
0x2: {  	[smem:$0x3F9B] =	sst lr;
	_ =	strace $0xD0000000  }
0x3: {  	_ = 	snop  }
0x4: {  	_ = 	snop  }
0x5: {  	_ = 	snop  }
0x6: {  	_ = 	snop  }
0x7: {  	_ = 	snop  }
__scs_overlays_trampoline_lowered:
0x8: {  	[smem:$0x3FAA] =	sst s0  }
0x9: {  	[smem:$0x3FAB] =	sst s1  }
0xa: {  	[smem:$0x3FAC] =	sst s2  }
0xb: {  	[smem:$0x3FAD] =	sst s3  }
0xc: {  	[smem:$0x3FAE] =	sst s4  }
0xd: {  	[smem:$0x3FAF] =	sst s5  }
0xe: {  	[smem:$0x3FB0] =	sst s6  }
0xf: {  	[smem:$0x3FB1] =	sst s7  }
0x10: {  	[smem:$0x3FB2] =	sst s8  }
0x11: {  	[smem:$0x3FB3] =	sst s9;
	s0 =	simm.s32 @!p0 $0x0  }
0x12: {  	s1 =	sld [smem:$0x3F99];
	s0 =	simm.s32 @p0 $0x1  }
0x13: {  	[smem:$0x3FB4] =	sst s0;
	s0 =	simm.s32 @!p1 $0x0  }
0x14: {  	s2 =	sld [smem:$0x3F98];
	s0 =	simm.s32 @p1 $0x1  }
0x15: {  	[smem:$0x3FB5] =	sst s0;
	s0 =	simm.s32 @!p2 $0x0  }
0x16: {  	s3 =	sld [smem:$0x3FDB];
	s0 =	simm.s32 @p2 $0x1  }
0x17: {  	s4 =	simm.s32 $0x1BF5;
	[smem:$0x3FB7] =	sst s0  }
0x18: {  	s0 =	sld [smem:$0x3F9A];
	_ =	swait.ge [sflag:s4], $0x0  }
0x19: {  	s7 =	sld [smem:$0x3F9B]  }
0x1a: {  	s8 =	sadd.s32 $0xFFFFE003, lr  }
0x1b: {  	s9 =	sadd.s32 $0xFFFFFEF7, lr;
	s5 =	simm.s32 $0xFFFFFFFF;
	p2 =	slt.u32 s8, $0xFFFFF086  }
0x1c: {  	p1 =	slt.u32 s9, $0xF7A;
	s5 =	simm.s32 @!p2 $0x0  }
0x1d: {  	s5 =	simm.s32 @p1 $0x1;
	p0 =	seq.s32 s7, s2  }
0x1e: {  	s7 =	smul.u32 @!p0 $0xF7A, s2;
	p2 =	seq.s32 @!p0 s5, $0x0  }
0x1f: {  	s9 =	smul.u32 $0xF7A, s1;
	s8 =	simm.s32 @!p0 $0x1BF5;
	p2 =	por !p2, p0  }
0x20: {  	[sflag:s8] =	ssyncset.s32 @!p0 $0xFFFFF086;
	s6 =	sadd.s32 @!p0 s3, s7;
	s7 =	simm.s32 @!p0 $0x108  }
0x21: {  	s3 =	sadd.s32 s3, s9;
	s6 =	sadd.s32 @!p0 $0x88, s6;
	s7 =	simm.s32 @p2 $0x1082  }
0x22: {  	[simem:s7], [sflag:s8] =	dma.local @!p0 [hbm:s6], $0xF7A  }
0x23: {  	s9 =	sor.u32 $0xD0000000, s2;
	s6 =	simm.s32 $0x108;
	_ =	swait.ge @!p0 [sflag:s8], $0x0  }
0x24: {  	s3 =	sadd.s32 $0x88, s3;
	s6 =	simm.s32 @!p1 $0x1082;
	[sflag:s4] =	ssyncset.s32 $0xFFFFF086  }
0x25: {  	[simem:s6], [sflag:s4] =	dma.local [hbm:s3], $0xF7A  }
0x26: {  	[smem:$0x3F9B] =	sst s1;
	(tag) =	ssettag s2;
	_ =	strace s9  }
0x27: {  	s1 =	sld [smem:$0x3FAB]  }
0x28: {  	s2 =	sld [smem:$0x3FAC]  }
0x29: {  	s4 =	sld [smem:$0x3FAE]  }
0x2a: {  	p0 =	seq.s32 s5, $0x0;
	s5 =	sld [smem:$0x3FAF]  }
0x2b: {  	s6 =	sld [smem:$0x3FB0]  }
0x2c: {  	s7 =	sld [smem:$0x3FB1]  }
0x2d: {  	s3 =	simm.s32 $0x108;
	s8 =	sld [smem:$0x3FB2]  }
0x2e: {  	s3 =	simm.s32 @!p0 $0x1082;
	s9 =	sld [smem:$0x3FB3]  }
0x2f: {  	lr =	sadd.s32 s0, s3;
	s0 =	sld [smem:$0x3FAA]  }
0x30: {  	s3 =	sld [smem:$0x3FAD]  }
0x31: {  	[smem:$0x3FB6] =	sst s10  }
0x32: {  	s10 =	sld [smem:$0x3FB4];
	_ =	sdelay $0x3  }
0x33: {  	p0 =	seq.s32 s10, $0x1;
	s10 =	sld [smem:$0x3FB6];
	_ =	sdelay $0x3  }
0x34: {  	[smem:$0x3FB6] =	sst s10  }
0x35: {  	s10 =	sld [smem:$0x3FB5];
	_ =	sdelay $0x3  }
0x36: {  	p1 =	seq.s32 s10, $0x1;
	s10 =	sld [smem:$0x3FB6];
	_ =	sdelay $0x3  }
0x37: {  	[smem:$0x3FB6] =	sst s10  }
0x38: {  	s10 =	sld [smem:$0x3FB7]  }
0x39: {  	_ = 	snop;
	(pc) =	sbr.ind lr, $3  }
0x3a: {  	_ = 	snop  }
0x3b: {  	_ = 	snop  }
0x3c: {  	p2 =	seq.s32 s10, $0x1;
	s10 =	sld [smem:$0x3FB6]  }
0x3d: {  	_ =	shalt  }
0x3e: {  	_ =	shalt  }
0x3f: {  	_ =	shalt  }
0x40: {  	_ =	shalt  }
0x41: {  	_ =	shalt  }
0x42: {  	_ =	shalt  }
0x43: {  	_ =	shalt  }
0x44: {  	_ =	shalt  }
0x45: {  	_ =	shalt  }
0x46: {  	_ =	shalt  }
0x47: {  	_ =	shalt  }
0x48: {  	_ =	shalt  }
0x49: {  	_ =	shalt  }
0x4a: {  	_ =	shalt  }
0x4b: {  	_ =	shalt  }
0x4c: {  	_ =	shalt  }
0x4d: {  	_ =	shalt  }
0x4e: {  	_ =	shalt  }
0x4f: {  	_ =	shalt  }
0x50: {  	_ =	shalt  }
0x51: {  	_ =	shalt  }
0x52: {  	_ =	shalt  }
0x53: {  	_ =	shalt  }
0x54: {  	_ =	shalt  }
0x55: {  	_ =	shalt  }
0x56: {  	_ =	shalt  }
0x57: {  	_ =	shalt  }
0x58: {  	_ =	shalt  }
0x59: {  	_ =	shalt  }
0x5a: {  	_ =	shalt  }
0x5b: {  	_ =	shalt  }
0x5c: {  	_ =	shalt  }
0x5d: {  	_ =	shalt  }
0x5e: {  	_ =	shalt  }
0x5f: {  	_ =	shalt  }
0x60: {  	_ =	shalt  }
0x61: {  	_ =	shalt  }
0x62: {  	_ =	shalt  }
0x63: {  	_ =	shalt  }
0x64: {  	_ =	shalt  }
0x65: {  	_ =	shalt  }
0x66: {  	_ =	shalt  }
0x67: {  	_ =	shalt  }
0x68: {  	_ =	shalt  }
0x69: {  	_ =	shalt  }
0x6a: {  	_ =	shalt  }
0x6b: {  	_ =	shalt  }
0x6c: {  	_ =	shalt  }
0x6d: {  	_ =	shalt  }
0x6e: {  	_ =	shalt  }
0x6f: {  	_ =	shalt  }
0x70: {  	_ =	shalt  }
0x71: {  	_ =	shalt  }
0x72: {  	_ =	shalt  }
0x73: {  	_ =	shalt  }
0x74: {  	_ =	shalt  }
0x75: {  	_ =	shalt  }
0x76: {  	_ =	shalt  }
0x77: {  	_ =	shalt  }
0x78: {  	_ =	shalt  }
0x79: {  	_ =	shalt  }
0x7a: {  	_ =	shalt  }
0x7b: {  	_ =	shalt  }
0x7c: {  	_ =	shalt  }
0x7d: {  	_ =	shalt  }
0x7e: {  	_ =	shalt  }
0x7f: {  	_ =	shalt  }
0x80: {  	_ =	shalt  }
0x81: {  	_ =	shalt  }
0x82: {  	_ =	shalt  }
0x83: {  	_ =	shalt  }
0x84: {  	_ =	shalt  }
0x85: {  	_ =	shalt  }
0x86: {  	_ =	shalt  }
0x87: {  	_ =	shalt  }
.Lfunc_end0:
.L_simem_size_0:
called_computation_lowered:
.L_overlay_start_0:
0x88: {  	s2 =	sld [smem:$0x3FD9]  }
0x89: {  	s3 =	sld [smem:$0x3FFE];
	_ =	sdelay $0x1  }
0x8a: {  	s1 =	srdreg.scid  }
0x8b: {  	s0 =	sand.u32 $0x1, s1  }
0x8c: {  	s17 =	sshll.u32 s0, $0xA;
	s2 =	sadd.s32 s3, s2  }
0x8d: {  	s2 =	sadd.s32 s2, s17  }
0x8e: {  	[smem:$0x3FC2] =	sst s2  }
0x8f: {  	_ = 	snop  }
0x90: {  	s2 =	sld [smem:$0x3FC4];
	(tm) =	ssettm $0x1  }
0x91: {  	s18 =	sld [smem:$0x3FFB];
	_ =	sdelay $0x3  }
0x92: {  	_ =	strace s18  }
0x93: {  	s3 =	sld [smem:$0x3FFC];
	_ =	sdelay $0x3  }
0x94: {  	_ =	strace s3  }
0x95: {  	s3 =	sld [smem:$0x3FFD];
	_ =	sdelay $0x3  }
0x96: {  	_ =	strace s3  }
0x97: {  	_ =	strace $0x8FFFFFFF  }
0x98: {  	s19 =	sld [smem:$0x3FDB];
	_ =	sdelay $0x1  }
0x99: {  	s4 =	simm.s32 $_scs_section_size  }
0x9a: {  	s5 =	simm.s32 $_size__tile_overlayer_lowered;
	s6 =	simm.s32 $_tile_overlayer_lowered  }
0x9b: {  	s22 =	simm.s32 $0x1BFF;
	s21 =	sshll.u32 s6, $0x1;
	s3 =	sadd.s32 s4, s19  }
0x9c: {  	s7 =	simm.s32 $0x0;
	s20 =	sshll.u32 s5, $0x1;
	s5 =	sadd.s32 s21, s3  }
0x9d: {  	[timem:s7], [sflag:s22] =	dma.local [hbm:s5], s20  }
0x9e: {  	_ =	swait.ge [sflag:s22], s20  }
0x9f: {  	s4 =	ssub.s32 $0x0, s20;
	[sflag:s22] =	ssyncset.done $0x0  }
0xa0: {  	[sflag:s22] =	ssyncadd.s32 s4;
	_ =	sdelay $0x1  }
0xa1: {  	s23 =	simm.s32 $0x1B8B  }
0xa2: {  	_ =	swait.ge [sflag:s23], $0x1  }
0xa3: {  	[sflag:s23] =	ssyncset.done $0x0  }
0xa4: {  	s25 =	simm.s32 $0x1B8E;
	s24 =	sld [smem:$0x3FFE];
	[sflag:s23] =	ssyncadd.s32 $0xFFFFFFFF  }
0xa5: {  	s26 =	simm.s32 $execute0_lowered;
	[smem:$0x3FD2] =	sst s25  }
0xa6: {  	s5 =	sshll.u32 s26, $0x1;
	_ =	strace $0x80000046;
	[dreg:$0x1] =	wrdreg $0xFFFFFFFF  }
0xa7: {  	s28 =	simm.s32 $_size_execute0_lowered;
	s3 =	sadd.s32 s3, s5;
	[dreg:$0x0] =	wrdreg $0x0  }
0xa8: {  	s5 =	sshll.u32 s28, $0x1;
	[dreg:$0x2] =	wrdreg s3  }
0xa9: {  	[dreg:$0x3] =	wrdreg s5  }
0xaa: {  	[dreg:$0x4] =	wrdreg $0xC0  }
0xab: {  	_ =	task [dreg:s7], $0x5FFFF  }
0xac: {  	[dreg:$0x1] =	wrdreg $0xFFFFFFFF  }
0xad: {  	[dreg:$0x0] =	wrdreg $0x60  }
0xae: {  	[dreg:$0x2] =	wrdreg s24  }
0xaf: {  	[dreg:$0x3] =	wrdreg s2  }
0xb0: {  	[dreg:$0x4] =	wrdreg $0x9  }
0xb1: {  	_ =	task.clear_ibuf [dreg:s7], $0x5FFFF;
	_ =	strace $0x90000046  }
0xb2: {  	s29 =	simm.s32 $0x9;
	_ =	strace $0x80000048  }
0xb3: {  	_ =	swait.ge [sflag:s29], $0x1  }
0xb4: {  	[sflag:s29] =	ssyncadd.s32 $0xFFFFFFFF  }
0xb5: {  	_ =	strace $0x90000048  }
0xb6: {  	_ =	sfence  }
0xb7: {  	s30 =	sld [smem:$0x0];
	_ =	sdelay $0x2  }
0xb8: {  	s31 =	sshll.u32 s1, $0xD;
	s1 =	sshrl.u32 s1, $0x2  }
0xb9: {  	s3 =	sand.u32 $0x4000, s31;
	s1 =	sadd.s32 s1, s30  }
0xba: {  	s0 =	sor.u32 s3, s0;
	s1 =	sshll.u32 s1, $0x11  }
0xbb: {  	s0 =	sor.u32 s1, s0  }
0xbc: {  	s0 =	sadd.s32 $0x8F2B, s0  }
0xbd: {  	[sflag:s0] =	ssyncadd.remote.s32 $0x1  }
0xbe: {  	_ =	sfence.sel $0xFFFF  }
0xbf: {  	[dreg:$0x0] =	wrdreg $0xFFFFFFFF;
	(pc) =	sbr.abs _section_cstart, $3  }
0xc0: {  	[dreg:$0x1] =	wrdreg $0xFFFFFFFF  }
0xc1: {  	_ =	task.clear_ibuf [dreg:s7], $0x2FFFF;
	_ =	strace $0x9FFFFFFF  }
0xc2: {  	(tm) =	ssettm $0x7FFFFFFF  }
0xc3: {  	_ =	shalt  }
tec
execute0_lowered:
.L_overlay_start_1:
0x0: {  	(tag) =	ssettag $0x1  }
0x1: {  	s4 =	rddreg [dreg:$0x0]  }
0x2: {  	s5 =	rddreg [dreg:$0x1]  }
0x3: {  	s0 =	rddreg [dreg:$0x2];
	s1 =	simm.s32 $0x0  }
0x4: {  	s2 =	srdreg.scid;
	s10 =	simm.s32 $0x2;
	s11 =	simm.s32 $0x600  }
0x5: {  	s12 =	simm.s32 $0x200;
	s13 =	simm.s32 $0x280;
	s14 =	simm.s32 $0x480  }
0x6: {  	s15 =	simm.s32 $0x300;
	s16 =	simm.s32 $0x500;
	s17 =	simm.s32 $0x380  }
0x7: {  	s18 =	simm.s32 $0x580;
	s19 =	simm.s32 $0x1;
	s20 =	simm.s32 $0x0  }
0x8: {  	[smem:$0x7FF] =	sst s1;
	s6 =	sand.u32 $0x1, s2;
	s3 =	sadd.s32 $0x2A00, s4  }
0x9: {  	s2 =	stileid.u32;
	s4 =	sadd.s32 $0x310A00, s4;
	_ =	strace $0x80000047  }
0xa: {  	s7 =	ssub.s32 $0x2, s6;
	s9 =	sshll.u32 s2, $0x3;
	s31 =	sshll.u32 s2, $0x4  }
0xb: {  	s6 =	sshll.u32 s6, $0x3;
	s8 =	sshrl.u32 s7, $0x1;
	s30 =	sand.u32 $0x70, s9  }
0xc: {  	s6 =	sor.u32 s6, s31;
	s9 =	simm.s32 $0x400;
	s7 =	ssub.s32 s7, s8  }
0xd: {  	v0 =	vimm.s32 $0x0;
	s5 =	sadd.s32 s5, s30;
	s8 =	simm.s32 $0x80;
	s7 =	smax.u32 s7, $0x1  }
.LBB2_1:
0xe: {  	[tilespmem:s1], [sflag:$0x2] =	stream.strided.gather [hbm4b:s5+s8], $0x200, s9, s8, $0x38;
	[tilespmem:$0x800] =	vst v63  }
0xf: {  	_ =	swait.ge [sflag:s10], $0x200  }
0x10: {  	[sflag:s10] =	ssyncset.done $0x0  }
0x11: {  	s21 =	simm.s32 $0x0;
	[sflag:s10] =	ssyncadd.s32 $0xFFFFFE00  }
.LBB2_2:
0x12: {  	v1 =	vld [tilespmem:$0x0]  }
0x13: {  	v2 =	vld [tilespmem:$0x10]  }
0x14: {  	s22 =	sadd.s32 s6, s21;
	v3 =	vld [tilespmem:$0x20]  }
0x15: {  	v4 =	vld [tilespmem:$0x30];
	s23 =	smul.u32 $0x18700, s22  }
0x16: {  	v5 =	vld [tilespmem:$0x40]  }
0x17: {  	v6 =	vld [tilespmem:$0x50];
	v1 =	vadd.s32 s23, v1  }
0x18: {  	[tilespmem:$0x200] =	vst v1;
	v1 =	vadd.s32 s23, v2;
	v2 =	vld [tilespmem:$0x60]  }
0x19: {  	[tilespmem:$0x210] =	vst v1;
	v1 =	vadd.s32 s23, v3;
	v3 =	vld [tilespmem:$0x70]  }
0x1a: {  	v49 =	vld [tilespmem:$0x80];
	[tilespmem:$0x220] =	vst v1;
	v1 =	vadd.s32 s23, v4  }
0x1b: {  	v50 =	vld [tilespmem:$0x90];
	[tilespmem:$0x230] =	vst v1;
	v1 =	vadd.s32 s23, v5  }
0x1c: {  	v51 =	vld [tilespmem:$0xA0];
	[tilespmem:$0x240] =	vst v1;
	v1 =	vadd.s32 s23, v6  }
0x1d: {  	[tilespmem:$0x250] =	vst v1;
	v1 =	vadd.s32 s23, v2;
	v2 =	vld [tilespmem:$0xB0]  }
0x1e: {  	[tilespmem:$0x260] =	vst v1;
	v1 =	vadd.s32 s23, v3;
	v3 =	vld [tilespmem:$0xC0]  }
0x1f: {  	v52 =	vld [tilespmem:$0xD0];
	[tilespmem:$0x270] =	vst v1;
	v1 =	vadd.s32 s23, v49  }
0x20: {  	v53 =	vld [tilespmem:$0xE0];
	[tilespmem:$0x280] =	vst v1;
	v1 =	vadd.s32 s23, v50  }
0x21: {  	v54 =	vld [tilespmem:$0xF0];
	[tilespmem:$0x290] =	vst v1;
	v1 =	vadd.s32 s23, v51  }
0x22: {  	[tilespmem:$0x2A0] =	vst v1;
	v1 =	vadd.s32 s23, v2;
	v2 =	vld [tilespmem:$0x100]  }
0x23: {  	[tilespmem:$0x2B0] =	vst v1;
	v1 =	vadd.s32 s23, v3;
	v3 =	vld [tilespmem:$0x110]  }
0x24: {  	v55 =	vld [tilespmem:$0x120];
	[tilespmem:$0x2C0] =	vst v1;
	v1 =	vadd.s32 s23, v52  }
0x25: {  	v56 =	vld [tilespmem:$0x130];
	[tilespmem:$0x2D0] =	vst v1;
	v1 =	vadd.s32 s23, v53  }
0x26: {  	v57 =	vld [tilespmem:$0x140];
	[tilespmem:$0x2E0] =	vst v1;
	v1 =	vadd.s32 s23, v54  }
0x27: {  	[tilespmem:$0x2F0] =	vst v1;
	v1 =	vadd.s32 s23, v2;
	v2 =	vld [tilespmem:$0x150]  }
0x28: {  	[tilespmem:$0x300] =	vst v1;
	v1 =	vadd.s32 s23, v3;
	v3 =	vld [tilespmem:$0x160]  }
0x29: {  	v58 =	vld [tilespmem:$0x170];
	[tilespmem:$0x310] =	vst v1;
	v1 =	vadd.s32 s23, v55  }
0x2a: {  	v59 =	vld [tilespmem:$0x180];
	[tilespmem:$0x320] =	vst v1;
	v1 =	vadd.s32 s23, v56  }
0x2b: {  	v60 =	vld [tilespmem:$0x190];
	[tilespmem:$0x330] =	vst v1;
	v1 =	vadd.s32 s23, v57  }
0x2c: {  	[tilespmem:$0x340] =	vst v1;
	v1 =	vadd.s32 s23, v2;
	v2 =	vld [tilespmem:$0x1A0]  }
0x2d: {  	[tilespmem:$0x350] =	vst v1;
	v1 =	vadd.s32 s23, v3;
	v3 =	vld [tilespmem:$0x1B0]  }
0x2e: {  	v61 =	vld [tilespmem:$0x1C0];
	[tilespmem:$0x360] =	vst v1;
	v1 =	vadd.s32 s23, v58  }
0x2f: {  	v62 =	vld [tilespmem:$0x1D0];
	[tilespmem:$0x370] =	vst v1;
	v1 =	vadd.s32 s23, v59  }
0x30: {  	v63 =	vld [tilespmem:$0x1E0];
	[tilespmem:$0x380] =	vst v1;
	v1 =	vadd.s32 s23, v60  }
0x31: {  	[tilespmem:$0x390] =	vst v1;
	v1 =	vadd.s32 s23, v2;
	v2 =	vld [tilespmem:$0x1F0]  }
0x32: {  	[tilespmem:$0x3A0] =	vst v1;
	v1 =	vadd.s32 s23, v3  }
0x33: {  	[tilespmem:$0x3B0] =	vst v1;
	v1 =	vadd.s32 s23, v61  }
0x34: {  	[tilespmem:$0x3C0] =	vst v1;
	v1 =	vadd.s32 s23, v62  }
0x35: {  	[tilespmem:$0x3D0] =	vst v1;
	v1 =	vadd.s32 s23, v63  }
0x36: {  	s22 =	sshll.u32 s22, $0x6;
	[tilespmem:$0x3E0] =	vst v1;
	v1 =	vadd.s32 s23, v2  }
0x37: {  	s31 =	simm.s32 $0x0;
	s22 =	sadd.s32 s4, s22;
	[tilespmem:$0x3F0] =	vst v1  }
0x38: {  	[tilespmem:s11], [sflag:$0x2] =	stream.linear.gather [hbm4b:s22+s31], $0x200, $0x38;
	[tilespmem:$0x800] =	vst v63  }
0x39: {  	_ =	swait.ge [sflag:s10], $0x200  }
0x3a: {  	[sflag:s10] =	ssyncset.done $0x0  }
0x3b: {  	[sflag:s10] =	ssyncadd.s32 $0xFFFFFE00  }
0x3c: {  	[tilespmem:s9], [sflag:$0x1] =	stream.indirect.gather [hbm4b:s3+s8], $0x1, s12, s8, $0xb8;
	[tilespmem:$0x800] =	vst v63  }
0x3d: {  	_ = 	snop  }
0x3e: {  	[tilespmem:s14], [sflag:$0x1] =	stream.indirect.gather [hbm4b:s3+s8], $0x1, s13, s8, $0xb8;
	[tilespmem:$0x800] =	vst v63  }
0x3f: {  	_ = 	snop  }
0x40: {  	[tilespmem:s16], [sflag:$0x1] =	stream.indirect.gather [hbm4b:s3+s8], $0x1, s15, s8, $0xb8;
	[tilespmem:$0x800] =	vst v63  }
0x41: {  	_ = 	snop  }
0x42: {  	[tilespmem:s18], [sflag:$0x1] =	stream.indirect.gather [hbm4b:s3+s8], $0x1, s17, s8, $0xb8;
	[tilespmem:$0x800] =	vst v63  }
0x43: {  	_ =	swait.ge [sflag:s19], $0x80  }
0x44: {  	[sflag:s19] =	ssyncset.done $0x0  }
0x45: {  	[sflag:s19] =	ssyncadd.s32 $0xFFFFFF80  }
0x46: {  	_ =	swait.ge [sflag:s19], $0x80  }
0x47: {  	[sflag:s19] =	ssyncset.done $0x0  }
0x48: {  	[sflag:s19] =	ssyncadd.s32 $0xFFFFFF80  }
0x49: {  	_ =	swait.ge [sflag:s19], $0x80  }
0x4a: {  	[sflag:s19] =	ssyncset.done $0x0  }
0x4b: {  	[sflag:s19] =	ssyncadd.s32 $0xFFFFFF80  }
0x4c: {  	_ =	swait.ge [sflag:s19], $0x80  }
0x4d: {  	[sflag:s19] =	ssyncset.done $0x0  }
0x4e: {  	s23 =	simm.s32 $0x40;
	s22 =	simm.s32 $0x0;
	[sflag:s19] =	ssyncadd.s32 $0xFFFFFF80  }
.LBB2_3:
0x4f: {  	p0 =	sne.s32 s23, $0x1C0;
	v1 =	vld [tilespmem:s22+$0x400];
	_ =	sdelay $0x4  }
0x50: {  	v1 =	vmul.f32 $1.442695020e+00, v1;
	_ =	sdelay $0x1  }
0x51: {  	(erf) = vpow2.f32 v1;
	_ =	sdelay $0x4  }
0x52: {  	v1 =	vld [tilespmem:s22+$0x600];
	_ =	sdelay $0x3  }
0x53: {  	v2 =	vpop (erf)  }
0x54: {  	v1 =	vadd.f32 v2, v1;
	_ =	sdelay $0x1  }
0x55: {  	v2 =	vand.u32 $0x7FFFFF, v1  }
0x56: {  	v2 =	vor.u32 $0x3F800000, v2  }
0x57: {  	v3 =	vmul.f32 $5.000000000e-01, v2  }
0x58: {  	vm0 =	vgt.f32 v2, $1.414213540e+00  }
0x59: {  	v2 =	vsel vm0, v3, v2  }
0x5a: {  	v3 =	vadd.f32 $1.000000000e+00, v2;
	_ =	sdelay $0x1  }
0x5b: {  	(erf) = vrcp.f32 v3;
	_ =	sdelay $0x7  }
0x5c: {  	v2 =	vadd.f32 $-1.000000000e+00, v2  }
0x5d: {  	v3 =	vpop (erf)  }
0x5e: {  	v2 =	vmul.f32 v3, v2;
	_ =	sdelay $0x1  }
0x5f: {  	v3 =	vmul.f32 v2, v2;
	_ =	sdelay $0x1  }
0x60: {  	v4 =	vmul.f32 $1.111111120e-01, v3;
	_ =	sdelay $0x1  }
0x61: {  	v4 =	vadd.f32 $1.428571490e-01, v4;
	_ =	sdelay $0x1  }
0x62: {  	v4 =	vmul.f32 v4, v3;
	_ =	sdelay $0x1  }
0x63: {  	v4 =	vadd.f32 $2.000000030e-01, v4;
	_ =	sdelay $0x1  }
0x64: {  	v4 =	vmul.f32 v4, v3;
	_ =	sdelay $0x1  }
0x65: {  	v4 =	vadd.f32 $3.333333430e-01, v4  }
0x66: {  	v1 =	vshrl.u32 v1, $0x17;
	v5 =	vsel vm0, $0x1, v0  }
0x67: {  	v1 =	vadd.s32 v5, v1;
	v3 =	vmul.f32 v4, v3  }
0x68: {  	v1 =	vadd.s32 $0xFFFFFF81, v1  }
0x69: {  	v1 =	vcvt.s32.f32 v1;
	v2 =	vadd.f32 v2, v2;
	v3 =	vadd.f32 $1.000000000e+00, v3;
	_ =	sdelay $0x1  }
.Ltmp0:
0x6a: {  	v1 =	vmul.f32 $6.931471820e-01, v1;
	v2 =	vmul.f32 v3, v2;
	(pc) =	sbr.rel @p0 .LBB2_3-.Ltmp0, $3  }
0x6b: {  	_ = 	snop  }
0x6c: {  	v1 =	vadd.f32 v2, v1;
	_ =	sdelay $0x1  }
0x6d: {  	[tilespmem:s22+$0x400] =	vst v1;
	s22 =	sshra.s32 s23, $0x2;
	s23 =	sadd.s32 $0x40, s23  }
0x6e: {  	v1 =	vld [tilespmem:s22+$0x400];
	_ =	sdelay $0x4  }
0x6f: {  	v1 =	vmul.f32 $1.442695020e+00, v1;
	_ =	sdelay $0x1  }
0x70: {  	(erf) = vpow2.f32 v1;
	_ =	sdelay $0x4  }
0x71: {  	v1 =	vld [tilespmem:s22+$0x600];
	_ =	sdelay $0x3  }
0x72: {  	v2 =	vpop (erf)  }
0x73: {  	v1 =	vadd.f32 v2, v1;
	_ =	sdelay $0x1  }
0x74: {  	v2 =	vand.u32 $0x7FFFFF, v1  }
0x75: {  	v2 =	vor.u32 $0x3F800000, v2  }
0x76: {  	v3 =	vmul.f32 $5.000000000e-01, v2  }
0x77: {  	vm0 =	vgt.f32 v2, $1.414213540e+00  }
0x78: {  	v2 =	vsel vm0, v3, v2  }
0x79: {  	v3 =	vadd.f32 $1.000000000e+00, v2;
	_ =	sdelay $0x1  }
0x7a: {  	(erf) = vrcp.f32 v3;
	_ =	sdelay $0x7  }
0x7b: {  	v2 =	vadd.f32 $-1.000000000e+00, v2  }
0x7c: {  	v3 =	vpop (erf)  }
0x7d: {  	v2 =	vmul.f32 v3, v2;
	_ =	sdelay $0x1  }
0x7e: {  	v3 =	vmul.f32 v2, v2;
	_ =	sdelay $0x1  }
0x7f: {  	v4 =	vmul.f32 $1.111111120e-01, v3;
	_ =	sdelay $0x1  }
0x80: {  	v4 =	vadd.f32 $1.428571490e-01, v4;
	_ =	sdelay $0x1  }
0x81: {  	v4 =	vmul.f32 v4, v3;
	_ =	sdelay $0x1  }
0x82: {  	v4 =	vadd.f32 $2.000000030e-01, v4;
	_ =	sdelay $0x1  }
0x83: {  	v4 =	vmul.f32 v4, v3;
	_ =	sdelay $0x1  }
0x84: {  	v4 =	vadd.f32 $3.333333430e-01, v4  }
0x85: {  	v1 =	vshrl.u32 v1, $0x17;
	v5 =	vsel vm0, $0x1, v0  }
0x86: {  	v1 =	vadd.s32 v5, v1;
	v3 =	vmul.f32 v4, v3  }
0x87: {  	v1 =	vadd.s32 $0xFFFFFF81, v1  }
0x88: {  	v1 =	vcvt.s32.f32 v1;
	v2 =	vadd.f32 v2, v2;
	v3 =	vadd.f32 $1.000000000e+00, v3;
	_ =	sdelay $0x1  }
0x89: {  	v1 =	vmul.f32 $6.931471820e-01, v1;
	v2 =	vmul.f32 v3, v2;
	_ =	sdelay $0x1  }
0x8a: {  	v1 =	vadd.f32 v2, v1;
	_ =	sdelay $0x1  }
0x8b: {  	s23 =	simm.s32 $0x40;
	[tilespmem:s22+$0x400] =	vst v1;
	s22 =	simm.s32 $0x0  }
.LBB2_5:
0x8c: {  	p0 =	sne.s32 s23, $0x1C0;
	v1 =	vld [tilespmem:s22+$0x480];
	_ =	sdelay $0x4  }
0x8d: {  	v1 =	vmul.f32 $1.442695020e+00, v1;
	_ =	sdelay $0x1  }
0x8e: {  	(erf) = vpow2.f32 v1;
	_ =	sdelay $0x4  }
0x8f: {  	v1 =	vld [tilespmem:s22+$0x680];
	_ =	sdelay $0x3  }
0x90: {  	v2 =	vpop (erf)  }
0x91: {  	v1 =	vadd.f32 v2, v1;
	_ =	sdelay $0x1  }
0x92: {  	v2 =	vand.u32 $0x7FFFFF, v1  }
0x93: {  	v2 =	vor.u32 $0x3F800000, v2  }
0x94: {  	v3 =	vmul.f32 $5.000000000e-01, v2  }
0x95: {  	vm0 =	vgt.f32 v2, $1.414213540e+00  }
0x96: {  	v2 =	vsel vm0, v3, v2  }
0x97: {  	v3 =	vadd.f32 $1.000000000e+00, v2;
	_ =	sdelay $0x1  }
0x98: {  	(erf) = vrcp.f32 v3;
	_ =	sdelay $0x7  }
0x99: {  	v2 =	vadd.f32 $-1.000000000e+00, v2  }
0x9a: {  	v3 =	vpop (erf)  }
0x9b: {  	v2 =	vmul.f32 v3, v2;
	_ =	sdelay $0x1  }
0x9c: {  	v3 =	vmul.f32 v2, v2;
	_ =	sdelay $0x1  }
0x9d: {  	v4 =	vmul.f32 $1.111111120e-01, v3;
	_ =	sdelay $0x1  }
0x9e: {  	v4 =	vadd.f32 $1.428571490e-01, v4;
	_ =	sdelay $0x1  }
0x9f: {  	v4 =	vmul.f32 v4, v3;
	_ =	sdelay $0x1  }
0xa0: {  	v4 =	vadd.f32 $2.000000030e-01, v4;
	_ =	sdelay $0x1  }
0xa1: {  	v4 =	vmul.f32 v4, v3;
	_ =	sdelay $0x1  }
0xa2: {  	v4 =	vadd.f32 $3.333333430e-01, v4  }
0xa3: {  	v1 =	vshrl.u32 v1, $0x17;
	v5 =	vsel vm0, $0x1, v0  }
0xa4: {  	v1 =	vadd.s32 v5, v1;
	v3 =	vmul.f32 v4, v3  }
0xa5: {  	v1 =	vadd.s32 $0xFFFFFF81, v1  }
0xa6: {  	v1 =	vcvt.s32.f32 v1;
	v2 =	vadd.f32 v2, v2;
	v3 =	vadd.f32 $1.000000000e+00, v3;
	_ =	sdelay $0x1  }
.Ltmp1:
0xa7: {  	v1 =	vmul.f32 $6.931471820e-01, v1;
	v2 =	vmul.f32 v3, v2;
	(pc) =	sbr.rel @p0 .LBB2_5-.Ltmp1, $3  }
0xa8: {  	_ = 	snop  }
0xa9: {  	v1 =	vadd.f32 v2, v1;
	_ =	sdelay $0x1  }
0xaa: {  	[tilespmem:s22+$0x480] =	vst v1;
	s22 =	sshra.s32 s23, $0x2;
	s23 =	sadd.s32 $0x40, s23  }
0xab: {  	v1 =	vld [tilespmem:s22+$0x480];
	_ =	sdelay $0x4  }
0xac: {  	v1 =	vmul.f32 $1.442695020e+00, v1;
	_ =	sdelay $0x1  }
0xad: {  	(erf) = vpow2.f32 v1;
	_ =	sdelay $0x4  }
0xae: {  	v1 =	vld [tilespmem:s22+$0x680];
	_ =	sdelay $0x3  }
0xaf: {  	v2 =	vpop (erf)  }
0xb0: {  	v1 =	vadd.f32 v2, v1;
	_ =	sdelay $0x1  }
0xb1: {  	v2 =	vand.u32 $0x7FFFFF, v1  }
0xb2: {  	v2 =	vor.u32 $0x3F800000, v2  }
0xb3: {  	v3 =	vmul.f32 $5.000000000e-01, v2  }
0xb4: {  	vm0 =	vgt.f32 v2, $1.414213540e+00  }
0xb5: {  	v2 =	vsel vm0, v3, v2  }
0xb6: {  	v3 =	vadd.f32 $1.000000000e+00, v2;
	_ =	sdelay $0x1  }
0xb7: {  	(erf) = vrcp.f32 v3;
	_ =	sdelay $0x7  }
0xb8: {  	v2 =	vadd.f32 $-1.000000000e+00, v2  }
0xb9: {  	v3 =	vpop (erf)  }
0xba: {  	v2 =	vmul.f32 v3, v2;
	_ =	sdelay $0x1  }
0xbb: {  	v3 =	vmul.f32 v2, v2;
	_ =	sdelay $0x1  }
0xbc: {  	v4 =	vmul.f32 $1.111111120e-01, v3;
	_ =	sdelay $0x1  }
0xbd: {  	v4 =	vadd.f32 $1.428571490e-01, v4;
	_ =	sdelay $0x1  }
0xbe: {  	v4 =	vmul.f32 v4, v3;
	_ =	sdelay $0x1  }
0xbf: {  	v4 =	vadd.f32 $2.000000030e-01, v4;
	_ =	sdelay $0x1  }
0xc0: {  	v4 =	vmul.f32 v4, v3;
	_ =	sdelay $0x1  }
0xc1: {  	v4 =	vadd.f32 $3.333333430e-01, v4  }
0xc2: {  	v1 =	vshrl.u32 v1, $0x17;
	v5 =	vsel vm0, $0x1, v0  }
0xc3: {  	v1 =	vadd.s32 v5, v1;
	v3 =	vmul.f32 v4, v3  }
0xc4: {  	v1 =	vadd.s32 $0xFFFFFF81, v1  }
0xc5: {  	v1 =	vcvt.s32.f32 v1;
	v2 =	vadd.f32 v2, v2;
	v3 =	vadd.f32 $1.000000000e+00, v3;
	_ =	sdelay $0x1  }
0xc6: {  	v1 =	vmul.f32 $6.931471820e-01, v1;
	v2 =	vmul.f32 v3, v2;
	_ =	sdelay $0x1  }
0xc7: {  	v1 =	vadd.f32 v2, v1;
	_ =	sdelay $0x1  }
0xc8: {  	s23 =	simm.s32 $0x40;
	[tilespmem:s22+$0x480] =	vst v1;
	s22 =	simm.s32 $0x0  }
.LBB2_7:
0xc9: {  	p0 =	sne.s32 s23, $0x1C0;
	v1 =	vld [tilespmem:s22+$0x500];
	_ =	sdelay $0x4  }
0xca: {  	v1 =	vmul.f32 $1.442695020e+00, v1;
	_ =	sdelay $0x1  }
0xcb: {  	(erf) = vpow2.f32 v1;
	_ =	sdelay $0x4  }
0xcc: {  	v1 =	vld [tilespmem:s22+$0x700];
	_ =	sdelay $0x3  }
0xcd: {  	v2 =	vpop (erf)  }
0xce: {  	v1 =	vadd.f32 v2, v1;
	_ =	sdelay $0x1  }
0xcf: {  	v2 =	vand.u32 $0x7FFFFF, v1  }
0xd0: {  	v2 =	vor.u32 $0x3F800000, v2  }
0xd1: {  	v3 =	vmul.f32 $5.000000000e-01, v2  }
0xd2: {  	vm0 =	vgt.f32 v2, $1.414213540e+00  }
0xd3: {  	v2 =	vsel vm0, v3, v2  }
0xd4: {  	v3 =	vadd.f32 $1.000000000e+00, v2;
	_ =	sdelay $0x1  }
0xd5: {  	(erf) = vrcp.f32 v3;
	_ =	sdelay $0x7  }
0xd6: {  	v2 =	vadd.f32 $-1.000000000e+00, v2  }
0xd7: {  	v3 =	vpop (erf)  }
0xd8: {  	v2 =	vmul.f32 v3, v2;
	_ =	sdelay $0x1  }
0xd9: {  	v3 =	vmul.f32 v2, v2;
	_ =	sdelay $0x1  }
0xda: {  	v4 =	vmul.f32 $1.111111120e-01, v3;
	_ =	sdelay $0x1  }
0xdb: {  	v4 =	vadd.f32 $1.428571490e-01, v4;
	_ =	sdelay $0x1  }
0xdc: {  	v4 =	vmul.f32 v4, v3;
	_ =	sdelay $0x1  }
0xdd: {  	v4 =	vadd.f32 $2.000000030e-01, v4;
	_ =	sdelay $0x1  }
0xde: {  	v4 =	vmul.f32 v4, v3;
	_ =	sdelay $0x1  }
0xdf: {  	v4 =	vadd.f32 $3.333333430e-01, v4  }
0xe0: {  	v1 =	vshrl.u32 v1, $0x17;
	v5 =	vsel vm0, $0x1, v0  }
0xe1: {  	v1 =	vadd.s32 v5, v1;
	v3 =	vmul.f32 v4, v3  }
0xe2: {  	v1 =	vadd.s32 $0xFFFFFF81, v1  }
0xe3: {  	v1 =	vcvt.s32.f32 v1;
	v2 =	vadd.f32 v2, v2;
	v3 =	vadd.f32 $1.000000000e+00, v3;
	_ =	sdelay $0x1  }
.Ltmp2:
0xe4: {  	v1 =	vmul.f32 $6.931471820e-01, v1;
	v2 =	vmul.f32 v3, v2;
	(pc) =	sbr.rel @p0 .LBB2_7-.Ltmp2, $3  }
0xe5: {  	_ = 	snop  }
0xe6: {  	v1 =	vadd.f32 v2, v1;
	_ =	sdelay $0x1  }
0xe7: {  	[tilespmem:s22+$0x500] =	vst v1;
	s22 =	sshra.s32 s23, $0x2;
	s23 =	sadd.s32 $0x40, s23  }
0xe8: {  	v1 =	vld [tilespmem:s22+$0x500];
	_ =	sdelay $0x4  }
0xe9: {  	v1 =	vmul.f32 $1.442695020e+00, v1;
	_ =	sdelay $0x1  }
0xea: {  	(erf) = vpow2.f32 v1;
	_ =	sdelay $0x4  }
0xeb: {  	v1 =	vld [tilespmem:s22+$0x700];
	_ =	sdelay $0x3  }
0xec: {  	v2 =	vpop (erf)  }
0xed: {  	v1 =	vadd.f32 v2, v1;
	_ =	sdelay $0x1  }
0xee: {  	v2 =	vand.u32 $0x7FFFFF, v1  }
0xef: {  	v2 =	vor.u32 $0x3F800000, v2  }
0xf0: {  	v3 =	vmul.f32 $5.000000000e-01, v2  }
0xf1: {  	vm0 =	vgt.f32 v2, $1.414213540e+00  }
0xf2: {  	v2 =	vsel vm0, v3, v2  }
0xf3: {  	v3 =	vadd.f32 $1.000000000e+00, v2;
	_ =	sdelay $0x1  }
0xf4: {  	(erf) = vrcp.f32 v3;
	_ =	sdelay $0x7  }
0xf5: {  	v2 =	vadd.f32 $-1.000000000e+00, v2  }
0xf6: {  	v3 =	vpop (erf)  }
0xf7: {  	v2 =	vmul.f32 v3, v2;
	_ =	sdelay $0x1  }
0xf8: {  	v3 =	vmul.f32 v2, v2;
	_ =	sdelay $0x1  }
0xf9: {  	v4 =	vmul.f32 $1.111111120e-01, v3;
	_ =	sdelay $0x1  }
0xfa: {  	v4 =	vadd.f32 $1.428571490e-01, v4;
	_ =	sdelay $0x1  }
0xfb: {  	v4 =	vmul.f32 v4, v3;
	_ =	sdelay $0x1  }
0xfc: {  	v4 =	vadd.f32 $2.000000030e-01, v4;
	_ =	sdelay $0x1  }
0xfd: {  	v4 =	vmul.f32 v4, v3;
	_ =	sdelay $0x1  }
0xfe: {  	v4 =	vadd.f32 $3.333333430e-01, v4  }
0xff: {  	v1 =	vshrl.u32 v1, $0x17;
	v5 =	vsel vm0, $0x1, v0  }
0x100: {  	v1 =	vadd.s32 v5, v1;
	v3 =	vmul.f32 v4, v3  }
0x101: {  	v1 =	vadd.s32 $0xFFFFFF81, v1  }
0x102: {  	v1 =	vcvt.s32.f32 v1;
	v2 =	vadd.f32 v2, v2;
	v3 =	vadd.f32 $1.000000000e+00, v3;
	_ =	sdelay $0x1  }
0x103: {  	v1 =	vmul.f32 $6.931471820e-01, v1;
	v2 =	vmul.f32 v3, v2;
	_ =	sdelay $0x1  }
0x104: {  	v1 =	vadd.f32 v2, v1;
	_ =	sdelay $0x1  }
0x105: {  	s23 =	simm.s32 $0x40;
	[tilespmem:s22+$0x500] =	vst v1;
	s22 =	simm.s32 $0x0  }
.LBB2_9:
0x106: {  	p0 =	sne.s32 s23, $0x1C0;
	v1 =	vld [tilespmem:s22+$0x580];
	_ =	sdelay $0x4  }
0x107: {  	v1 =	vmul.f32 $1.442695020e+00, v1;
	_ =	sdelay $0x1  }
0x108: {  	(erf) = vpow2.f32 v1;
	_ =	sdelay $0x4  }
0x109: {  	v1 =	vld [tilespmem:s22+$0x780];
	_ =	sdelay $0x3  }
0x10a: {  	v2 =	vpop (erf)  }
0x10b: {  	v1 =	vadd.f32 v2, v1;
	_ =	sdelay $0x1  }
0x10c: {  	v2 =	vand.u32 $0x7FFFFF, v1  }
0x10d: {  	v2 =	vor.u32 $0x3F800000, v2  }
0x10e: {  	v3 =	vmul.f32 $5.000000000e-01, v2  }
0x10f: {  	vm0 =	vgt.f32 v2, $1.414213540e+00  }
0x110: {  	v2 =	vsel vm0, v3, v2  }
0x111: {  	v3 =	vadd.f32 $1.000000000e+00, v2;
	_ =	sdelay $0x1  }
0x112: {  	(erf) = vrcp.f32 v3;
	_ =	sdelay $0x7  }
0x113: {  	v2 =	vadd.f32 $-1.000000000e+00, v2  }
0x114: {  	v3 =	vpop (erf)  }
0x115: {  	v2 =	vmul.f32 v3, v2;
	_ =	sdelay $0x1  }
0x116: {  	v3 =	vmul.f32 v2, v2;
	_ =	sdelay $0x1  }
0x117: {  	v4 =	vmul.f32 $1.111111120e-01, v3;
	_ =	sdelay $0x1  }
0x118: {  	v4 =	vadd.f32 $1.428571490e-01, v4;
	_ =	sdelay $0x1  }
0x119: {  	v4 =	vmul.f32 v4, v3;
	_ =	sdelay $0x1  }
0x11a: {  	v4 =	vadd.f32 $2.000000030e-01, v4;
	_ =	sdelay $0x1  }
0x11b: {  	v4 =	vmul.f32 v4, v3;
	_ =	sdelay $0x1  }
0x11c: {  	v4 =	vadd.f32 $3.333333430e-01, v4  }
0x11d: {  	v1 =	vshrl.u32 v1, $0x17;
	v5 =	vsel vm0, $0x1, v0  }
0x11e: {  	v1 =	vadd.s32 v5, v1;
	v3 =	vmul.f32 v4, v3  }
0x11f: {  	v1 =	vadd.s32 $0xFFFFFF81, v1  }
0x120: {  	v1 =	vcvt.s32.f32 v1;
	v2 =	vadd.f32 v2, v2;
	v3 =	vadd.f32 $1.000000000e+00, v3;
	_ =	sdelay $0x1  }
.Ltmp3:
0x121: {  	v1 =	vmul.f32 $6.931471820e-01, v1;
	v2 =	vmul.f32 v3, v2;
	(pc) =	sbr.rel @p0 .LBB2_9-.Ltmp3, $3  }
0x122: {  	_ = 	snop  }
0x123: {  	v1 =	vadd.f32 v2, v1;
	_ =	sdelay $0x1  }
0x124: {  	[tilespmem:s22+$0x580] =	vst v1;
	s22 =	sshra.s32 s23, $0x2;
	s23 =	sadd.s32 $0x40, s23  }
0x125: {  	v1 =	vld [tilespmem:s22+$0x580];
	_ =	sdelay $0x4  }
0x126: {  	v1 =	vmul.f32 $1.442695020e+00, v1;
	_ =	sdelay $0x1  }
0x127: {  	(erf) = vpow2.f32 v1;
	_ =	sdelay $0x4  }
0x128: {  	v1 =	vld [tilespmem:s22+$0x780];
	_ =	sdelay $0x3  }
0x129: {  	v2 =	vpop (erf)  }
0x12a: {  	v1 =	vadd.f32 v2, v1;
	_ =	sdelay $0x1  }
0x12b: {  	v2 =	vand.u32 $0x7FFFFF, v1  }
0x12c: {  	v2 =	vor.u32 $0x3F800000, v2  }
0x12d: {  	v3 =	vmul.f32 $5.000000000e-01, v2  }
0x12e: {  	vm0 =	vgt.f32 v2, $1.414213540e+00  }
0x12f: {  	v2 =	vsel vm0, v3, v2  }
0x130: {  	v3 =	vadd.f32 $1.000000000e+00, v2;
	_ =	sdelay $0x1  }
0x131: {  	(erf) = vrcp.f32 v3;
	_ =	sdelay $0x7  }
0x132: {  	v2 =	vadd.f32 $-1.000000000e+00, v2  }
0x133: {  	v3 =	vpop (erf)  }
0x134: {  	v2 =	vmul.f32 v3, v2;
	_ =	sdelay $0x1  }
0x135: {  	v3 =	vmul.f32 v2, v2;
	_ =	sdelay $0x1  }
0x136: {  	v4 =	vmul.f32 $1.111111120e-01, v3;
	_ =	sdelay $0x1  }
0x137: {  	v4 =	vadd.f32 $1.428571490e-01, v4;
	_ =	sdelay $0x1  }
0x138: {  	v4 =	vmul.f32 v4, v3;
	_ =	sdelay $0x1  }
0x139: {  	v4 =	vadd.f32 $2.000000030e-01, v4;
	_ =	sdelay $0x1  }
0x13a: {  	v4 =	vmul.f32 v4, v3;
	_ =	sdelay $0x1  }
0x13b: {  	v4 =	vadd.f32 $3.333333430e-01, v4  }
0x13c: {  	v1 =	vshrl.u32 v1, $0x17;
	v5 =	vsel vm0, $0x1, v0  }
0x13d: {  	v1 =	vadd.s32 v5, v1;
	v3 =	vmul.f32 v4, v3  }
0x13e: {  	v1 =	vadd.s32 $0xFFFFFF81, v1  }
0x13f: {  	v1 =	vcvt.s32.f32 v1;
	v2 =	vadd.f32 v2, v2;
	v3 =	vadd.f32 $1.000000000e+00, v3;
	_ =	sdelay $0x1  }
0x140: {  	v1 =	vmul.f32 $6.931471820e-01, v1;
	v2 =	vmul.f32 v3, v2;
	_ =	sdelay $0x1  }
0x141: {  	v1 =	vadd.f32 v2, v1;
	_ =	sdelay $0x1  }
0x142: {  	[tilespmem:s22+$0x580] =	vst v1  }
0x143: {  	[hbm4b:s3+s8] =	stream.indirect.scatter [tilespmem:s9], [sflag:$0x1], $0x1, s12, s8, $0xb8;
	[tilespmem:$0x800] =	vst v63  }
0x144: {  	_ = 	snop  }
0x145: {  	[hbm4b:s3+s8] =	stream.indirect.scatter [tilespmem:s14], [sflag:$0x1], $0x1, s13, s8, $0xb8;
	[tilespmem:$0x800] =	vst v63  }
0x146: {  	_ = 	snop  }
0x147: {  	[hbm4b:s3+s8] =	stream.indirect.scatter [tilespmem:s16], [sflag:$0x1], $0x1, s15, s8, $0xb8;
	[tilespmem:$0x800] =	vst v63  }
0x148: {  	_ = 	snop  }
0x149: {  	[hbm4b:s3+s8] =	stream.indirect.scatter [tilespmem:s18], [sflag:$0x1], $0x1, s17, s8, $0xb8;
	[tilespmem:$0x800] =	vst v63  }
0x14a: {  	_ =	swait.ge [sflag:s19], $0x80  }
0x14b: {  	[sflag:s19] =	ssyncset.done $0x0  }
0x14c: {  	[sflag:s19] =	ssyncadd.s32 $0xFFFFFF80  }
0x14d: {  	_ =	swait.ge [sflag:s19], $0x80  }
0x14e: {  	[sflag:s19] =	ssyncset.done $0x0  }
0x14f: {  	s21 =	sadd.s32 $0x1, s21;
	[sflag:s19] =	ssyncadd.s32 $0xFFFFFF80  }
0x150: {  	p0 =	sne.s32 s21, $0x8;
	_ =	swait.ge [sflag:s19], $0x80  }
.Ltmp4:
0x151: {  	[sflag:s19] =	ssyncset.done $0x0;
	(pc) =	sbr.rel @p0 .LBB2_2-.Ltmp4, $4  }
0x152: {  	[sflag:s19] =	ssyncadd.s32 $0xFFFFFF80  }
0x153: {  	_ =	swait.ge [sflag:s19], $0x80  }
0x154: {  	[sflag:s19] =	ssyncset.done $0x0  }
0x155: {  	[sflag:s19] =	ssyncadd.s32 $0xFFFFFF80  }
0x156: {  	s20 =	sadd.s32 $0x1, s20  }
0x157: {  	p0 =	sne.s32 s20, s7  }
.Ltmp5:
0x158: {  	_ = 	snop;
	(pc) =	sbr.rel @p0 .LBB2_1-.Ltmp5, $1  }
0x159: {  	_ =	sdelay $0x3  }
0x15a: {  	_ =	sfence.sel $0x180000  }
0x15b: {  	[bflag:$0x0] =	sbarrier.arrive $0xFFFF  }
0x15c: {  	p0 =	sne.s32 s2, $0x0;
	_ =	strace $0x90000047  }
0x15d: {  	s0 =	sadd.s32 @!p0 $0x100000, s0;
	[bflag:$0x2] =	sbarrier.arrive $0xFFFF  }
0x15e: {  	[sflag:s0] =	ssyncadd.tile.s32 @!p0 $0x1;
	_ =	shalt  }
.Lfunc_end2:
_tile_overlayer_lowered:
.L_overlay_start_2:
0x15f: {  	(tag) =	ssettag $0x2  }
0x160: {  	s0 =	rddreg [dreg:$0x0];
	s2 =	stileid.u32  }
0x161: {  	s1 =	rddreg [dreg:$0x1];
	p0 =	sne.s32 s2, $0x0  }
0x162: {  	s3 =	rddreg [dreg:$0x2];
	[bflag:$0x3] =	sbarrier.arrive $0xFFFF;
	s2 =	simm.s32 @!p0 $0x1C02  }
0x163: {  	[timem:s3], [sflag:s2] =	dma.local @!p0 [hbm:s0], s1  }
0x164: {  	s0 =	simm.s32 @!p0 $0x2  }
0x165: {  	_ =	swait.ge @!p0 [sflag:s0], s1  }
0x166: {  	s1 =	ssub.s32 @!p0 $0x0, s1;
	[sflag:s0] =	ssyncset.done @!p0 $0x0  }
0x167: {  	[sflag:s0] =	ssyncadd.s32 @!p0 s1  }
0x168: {  	[bflag:$0x3] =	sbarrier.arrive $0xFFFF  }
0x169: {  	_ =	shalt  }

</sc_bundles>
